<compile_context>
chip_gen: v7x
topology: tpu7x:2x2x1
jax: 0.10.2.dev20260603
libtpu: 0.0.44.dev20260713+nightly
codegen_flags: <defaults>
</compile_context>

<pallas_src>
import functools

import jax
import jax.numpy as jnp
from jax import lax
from jax.experimental import pallas as pl
from jax.experimental.pallas import tpu as pltpu
from jax.experimental.pallas import tpu_sc as plsc

DIM = 64
MAXF = 432000
B_TOTAL = 1024 * 200
L = 16
NC, NS = 2, 16
NW = NC * NS
SUB = 128
ROWS_PER_W = B_TOTAL // NW
NSUB = ROWS_PER_W // SUB

_INV60 = 1.0 / 60.0

_mesh = plsc.VectorSubcoreMesh(core_axis_name="c", subcore_axis_name="s")


@functools.partial(
    pl.kernel,
    mesh=_mesh,
    compiler_params=pltpu.CompilerParams(use_tc_tiling_on_sc=False),
    out_type=jax.ShapeDtypeStruct((B_TOTAL, DIM), jnp.float32),
    scratch_types=[
        pltpu.VMEM((NSUB, SUB), jnp.int32),
        pltpu.VMEM((NSUB, SUB), jnp.int32),
        pltpu.VMEM((2, SUB, DIM), jnp.float32),
        pltpu.VMEM((2, SUB, DIM), jnp.float32),
        pltpu.SemaphoreType.DMA,
        pltpu.SemaphoreType.DMA,
    ],
)
def _encode(idx_hbm, ftab, stab, out_hbm,
            idx_v, sidx_v, fbuf, sbuf, sem0, sem1):
    wid = lax.axis_index("s") * NC + lax.axis_index("c")
    row0 = wid * ROWS_PER_W
    sems = (sem0, sem1)

    pltpu.sync_copy(idx_hbm.at[wid], idx_v)

    def derive(j, carry):
        for k in range(SUB // L):
            s = pl.ds(k * L, L)
            f = idx_v[j, s].astype(jnp.float32)
            sidx_v[j, s] = (f * _INV60).astype(jnp.int32)
        return carry

    lax.fori_loop(0, NSUB, derive, 0)

    def gathers(j, b):
        return [
            pltpu.make_async_copy(ftab.at[idx_v.at[j]], fbuf.at[b], sems[b]),
            pltpu.make_async_copy(stab.at[sidx_v.at[j]], sbuf.at[b], sems[b]),
        ]

    def fire(j, b):
        for cp in gathers(j, b):
            cp.start()

    fire(0, 0)

    def pair(i, carry):
        j0 = 2 * i
        for b in range(2):
            j = j0 + b

            @pl.when(j < NSUB - 1)
            def _():
                fire(j + 1, 1 - b)

            for cp in gathers(j, b):
                cp.wait()

            def add_rows(r4, c2):
                for rr in range(4):
                    r = r4 * 4 + rr
                    for q in range(DIM // L):
                        s = pl.ds(q * L, L)
                        fbuf[b, r, s] = fbuf[b, r, s] + sbuf[b, r, s]
                return c2

            lax.fori_loop(0, SUB // 4, add_rows, 0)
            pltpu.sync_copy(fbuf.at[b], out_hbm.at[pl.ds(row0 + j * SUB, SUB)])
        return carry

    lax.fori_loop(0, NSUB // 2, pair, 0)


def kernel(frame_indices, frame_table, second_table, minute_table, pe):
    bsz, seq = frame_indices.shape
    idx = frame_indices.astype(jnp.int32).reshape(NW, NSUB, SUB)
    comb = frame_table + pe
    small = second_table + jnp.repeat(minute_table, 60, axis=0)
    out = _encode(idx, comb, small)
    return out.reshape(bsz, seq, DIM)

# --- scband reference (transcript-rebuilt; emitter-appended) ---
"""Pipeline reference for scband-temporal-encoder-23484881174899 (READ-ONLY COPY).

The authoritative reference and input builder live on the scoring server;
editing this copy changes nothing except your own understanding.
"""

import jax, jax.numpy as jnp
import numpy as np

DIM = 64
MAX_FRAMES = 432000
SECONDS = 7200
MINUTES = 120
BATCH = 1024
SEQ = 200


def _make_pe(max_len, d_model):
    pe = np.zeros((max_len, d_model), dtype=np.float32)
    position = np.arange(0, max_len, dtype=np.float32)[:, None]
    div_term = np.exp(np.arange(0, d_model, 2, dtype=np.float32) * (-np.log(10000.0) / d_model))
    pe[:, 0::2] = np.sin(position * div_term)
    pe[:, 1::2] = np.cos(position * div_term)
    return jnp.asarray(pe)


def setup_inputs(seed: int = 0) -> dict:
    key = jax.random.key(seed)
    k_idx, k_f, k_s, k_m = jax.random.split(key, 4)
    frame_indices = jax.random.randint(k_idx, (BATCH, SEQ), 0, MAX_FRAMES, dtype=jnp.int64 if jax.config.jax_enable_x64 else jnp.int32)
    frame_table = jax.random.normal(k_f, (MAX_FRAMES, DIM), dtype=jnp.float32) * 0.02
    second_table = jax.random.normal(k_s, (SECONDS, DIM), dtype=jnp.float32) * 0.02
    minute_table = jax.random.normal(k_m, (MINUTES, DIM), dtype=jnp.float32) * 0.02
    pe = _make_pe(MAX_FRAMES, DIM)
    return {
        "frame_indices": frame_indices,
        "frame_table": frame_table,
        "second_table": second_table,
        "minute_table": minute_table,
        "pe": pe,
    }


def reference(frame_indices, frame_table, second_table, minute_table, pe):
    frame_emb = jnp.take(frame_table, frame_indices % MAX_FRAMES, axis=0)
    second_emb = jnp.take(second_table, (frame_indices // 60) % SECONDS, axis=0)
    minute_emb = jnp.take(minute_table, (frame_indices // 3600) % MINUTES, axis=0)
    pe_g = jnp.take(pe, frame_indices, axis=0)
    return frame_emb + second_emb + minute_emb + pe_g

if __name__ == "__main__":
    import jax
    _d = setup_inputs()
    print(jax.jit(kernel)(*tuple(_d.values())))

</pallas_src>

<mosaic_0001>
#map = affine_map<(d0, d1) -> (0, 0, 0)>
#map1 = affine_map<(d0, d1) -> (0, 0)>
module attributes {stable_mosaic.version = 14 : i64} {
  func.func @_encode(%arg0: i32, %arg1: i32, %arg2: memref<32x50x128xi32, #tpu.memory_space<hbm>>, %arg3: memref<432000x64xf32, #tpu.memory_space<hbm>>, %arg4: memref<7200x64xf32, #tpu.memory_space<hbm>>, %arg5: memref<204800x64xf32, #tpu.memory_space<hbm>>, %arg6: memref<50x128xi32, #tpu.memory_space<vmem>>, %arg7: memref<50x128xi32, #tpu.memory_space<vmem>>, %arg8: memref<2x128x64xf32, #tpu.memory_space<vmem>>, %arg9: memref<2x128x64xf32, #tpu.memory_space<vmem>>, %arg10: memref<!tpu.dma_semaphore, #tpu.memory_space<semaphore_mem>>, %arg11: memref<!tpu.dma_semaphore, #tpu.memory_space<semaphore_mem>>) attributes {dimension_semantics = [#tpu.dimension_semantics<core_parallel>, #tpu.dimension_semantics<subcore_parallel>], iteration_bounds = array<i64: 2, 16>, scalar_prefetch = 0 : i64, scratch_operands = 6 : i64, tpu.core_type = #tpu.core_type<sc_vector_subcore>, window_params = [{transform_indices = #map}, {transform_indices = #map1}, {transform_indices = #map1}, {transform_indices = #map1}]} {
    %mul3A = arith.constant 2 : i32
    %mul3A_0 = arith.muli %arg1, %mul3A : i32
    %add3A = arith.addi %mul3A_0, %arg0 : i32
    %mul3A_1 = arith.constant 6400 : i32
    %mul3A_2 = arith.muli %add3A, %mul3A_1 : i32
    "tpu.region"() ({
      %run_scoped3A = tpu.sem_alloc : memref<!tpu.dma_semaphore, #tpu.memory_space<semaphore_mem>>
      %dma_start3A_37 = arith.constant 0 : i32
      %dma_start3A_38 = arith.constant 0 : i32
      %dma_start3A_39 = tpu.memref_slice %arg2[%add3A, %dma_start3A_37, %dma_start3A_38] : memref<32x50x128xi32, #tpu.memory_space<hbm>> -> memref<1x50x128xi32, #tpu.memory_space<hbm>>
      %dma_start3A_40 = tpu.memref_squeeze %dma_start3A_39 : memref<1x50x128xi32, #tpu.memory_space<hbm>> -> memref<50x128xi32, #tpu.memory_space<hbm>>
      %dma_start3A_41 = arith.constant 0 : i32
      %dma_start3A_42 = arith.constant 0 : i32
      %dma_start3A_43 = tpu.memref_slice %arg2[%add3A, %dma_start3A_41, %dma_start3A_42] : memref<32x50x128xi32, #tpu.memory_space<hbm>> -> memref<1x50x128xi32, #tpu.memory_space<hbm>>
      %dma_start3A_44 = tpu.memref_squeeze %dma_start3A_43 : memref<1x50x128xi32, #tpu.memory_space<hbm>> -> memref<50x128xi32, #tpu.memory_space<hbm>>
      tpu.enqueue_dma source(%dma_start3A_44 : memref<50x128xi32, #tpu.memory_space<hbm>>) target(%arg6 : memref<50x128xi32, #tpu.memory_space<vmem>>) target_semaphore(%run_scoped3A : memref<!tpu.dma_semaphore, #tpu.memory_space<semaphore_mem>>)
      %dma_wait3A = arith.constant 0 : i32
      %dma_wait3A_45 = arith.constant 0 : i32
      %dma_wait3A_46 = tpu.memref_slice %arg2[%add3A, %dma_wait3A, %dma_wait3A_45] : memref<32x50x128xi32, #tpu.memory_space<hbm>> -> memref<1x50x128xi32, #tpu.memory_space<hbm>>
      %dma_wait3A_47 = tpu.memref_squeeze %dma_wait3A_46 : memref<1x50x128xi32, #tpu.memory_space<hbm>> -> memref<50x128xi32, #tpu.memory_space<hbm>>
      %dma_wait3A_48 = arith.constant 0 : i32
      %dma_wait3A_49 = arith.constant 0 : i32
      %dma_wait3A_50 = tpu.memref_slice %arg2[%add3A, %dma_wait3A_48, %dma_wait3A_49] : memref<32x50x128xi32, #tpu.memory_space<hbm>> -> memref<1x50x128xi32, #tpu.memory_space<hbm>>
      %dma_wait3A_51 = tpu.memref_squeeze %dma_wait3A_50 : memref<1x50x128xi32, #tpu.memory_space<hbm>> -> memref<50x128xi32, #tpu.memory_space<hbm>>
      tpu.wait_dma2 semaphore(%run_scoped3A : memref<!tpu.dma_semaphore, #tpu.memory_space<semaphore_mem>>) src(%dma_wait3A_51 : memref<50x128xi32, #tpu.memory_space<hbm>>) dst(%arg6 : memref<50x128xi32, #tpu.memory_space<vmem>>)
      tpu.yield
    }) : () -> ()
    %scan3A = arith.constant 0 : i32
    %scan3A_3 = arith.constant 0 : i32
    %scan3A_4 = arith.constant 50 : i32
    %scan3A_5 = arith.addi %scan3A_3, %scan3A_4 : i32
    %scan3A_6 = arith.constant 1 : i32
    scf.for %scan3A_37 = %scan3A_3 to %scan3A_5 step %scan3A_6  : i32 {
      %get3A = arith.index_cast %scan3A_37 : i32 to index
      %get3A_38 = arith.constant 0 : index
      %get3A_39 = tpu.vector_load %arg6[%get3A, %get3A_38] {strides = array<i32>} : memref<50x128xi32, #tpu.memory_space<vmem>>, vector<1x16xi32>,
      %get3A_40 = vector.shape_cast %get3A_39 : vector<1x16xi32> to vector<16xi32>
      %convert_element_type3A = arith.sitofp %get3A_40 : vector<16xi32> to vector<16xf32>
      %mul3A_41 = arith.constant 0.0166666675 : f32
      %mul3A_42 = vector.broadcast %mul3A_41 : f32 to vector<16xf32>
      %mul3A_43 = arith.mulf %convert_element_type3A, %mul3A_42 : vector<16xf32>
      %convert_element_type3A_44 = arith.fptosi %mul3A_43 : vector<16xf32> to vector<16xi32>
      %swap3A = arith.index_cast %scan3A_37 : i32 to index
      %swap3A_45 = arith.constant 0 : index
      %swap3A_46 = tpu.vector_load %arg7[%swap3A, %swap3A_45] {strides = array<i32>} : memref<50x128xi32, #tpu.memory_space<vmem>>, vector<1x16xi32>,
      %swap3A_47 = vector.shape_cast %swap3A_46 : vector<1x16xi32> to vector<16xi32>
      %swap3A_48 = vector.shape_cast %convert_element_type3A_44 : vector<16xi32> to vector<1x16xi32>
      tpu.vector_store %arg7[%swap3A, %swap3A_45], %swap3A_48 {strides = array<i32>} : memref<50x128xi32, #tpu.memory_space<vmem>>, vector<1x16xi32>,
      %get3A_49 = arith.index_cast %scan3A_37 : i32 to index
      %get3A_50 = arith.constant 16 : index
      %get3A_51 = tpu.vector_load %arg6[%get3A_49, %get3A_50] {strides = array<i32>} : memref<50x128xi32, #tpu.memory_space<vmem>>, vector<1x16xi32>,
      %get3A_52 = vector.shape_cast %get3A_51 : vector<1x16xi32> to vector<16xi32>
      %convert_element_type3A_53 = arith.sitofp %get3A_52 : vector<16xi32> to vector<16xf32>
      %mul3A_54 = arith.constant 0.0166666675 : f32
      %mul3A_55 = vector.broadcast %mul3A_54 : f32 to vector<16xf32>
      %mul3A_56 = arith.mulf %convert_element_type3A_53, %mul3A_55 : vector<16xf32>
      %convert_element_type3A_57 = arith.fptosi %mul3A_56 : vector<16xf32> to vector<16xi32>
      %swap3A_58 = arith.index_cast %scan3A_37 : i32 to index
      %swap3A_59 = arith.constant 16 : index
      %swap3A_60 = tpu.vector_load %arg7[%swap3A_58, %swap3A_59] {strides = array<i32>} : memref<50x128xi32, #tpu.memory_space<vmem>>, vector<1x16xi32>,
      %swap3A_61 = vector.shape_cast %swap3A_60 : vector<1x16xi32> to vector<16xi32>
      %swap3A_62 = vector.shape_cast %convert_element_type3A_57 : vector<16xi32> to vector<1x16xi32>
      tpu.vector_store %arg7[%swap3A_58, %swap3A_59], %swap3A_62 {strides = array<i32>} : memref<50x128xi32, #tpu.memory_space<vmem>>, vector<1x16xi32>,
      %get3A_63 = arith.index_cast %scan3A_37 : i32 to index
      %get3A_64 = arith.constant 32 : index
      %get3A_65 = tpu.vector_load %arg6[%get3A_63, %get3A_64] {strides = array<i32>} : memref<50x128xi32, #tpu.memory_space<vmem>>, vector<1x16xi32>,
      %get3A_66 = vector.shape_cast %get3A_65 : vector<1x16xi32> to vector<16xi32>
      %convert_element_type3A_67 = arith.sitofp %get3A_66 : vector<16xi32> to vector<16xf32>
      %mul3A_68 = arith.constant 0.0166666675 : f32
      %mul3A_69 = vector.broadcast %mul3A_68 : f32 to vector<16xf32>
      %mul3A_70 = arith.mulf %convert_element_type3A_67, %mul3A_69 : vector<16xf32>
      %convert_element_type3A_71 = arith.fptosi %mul3A_70 : vector<16xf32> to vector<16xi32>
      %swap3A_72 = arith.index_cast %scan3A_37 : i32 to index
      %swap3A_73 = arith.constant 32 : index
      %swap3A_74 = tpu.vector_load %arg7[%swap3A_72, %swap3A_73] {strides = array<i32>} : memref<50x128xi32, #tpu.memory_space<vmem>>, vector<1x16xi32>,
      %swap3A_75 = vector.shape_cast %swap3A_74 : vector<1x16xi32> to vector<16xi32>
      %swap3A_76 = vector.shape_cast %convert_element_type3A_71 : vector<16xi32> to vector<1x16xi32>
      tpu.vector_store %arg7[%swap3A_72, %swap3A_73], %swap3A_76 {strides = array<i32>} : memref<50x128xi32, #tpu.memory_space<vmem>>, vector<1x16xi32>,
      %get3A_77 = arith.index_cast %scan3A_37 : i32 to index
      %get3A_78 = arith.constant 48 : index
      %get3A_79 = tpu.vector_load %arg6[%get3A_77, %get3A_78] {strides = array<i32>} : memref<50x128xi32, #tpu.memory_space<vmem>>, vector<1x16xi32>,
      %get3A_80 = vector.shape_cast %get3A_79 : vector<1x16xi32> to vector<16xi32>
      %convert_element_type3A_81 = arith.sitofp %get3A_80 : vector<16xi32> to vector<16xf32>
      %mul3A_82 = arith.constant 0.0166666675 : f32
      %mul3A_83 = vector.broadcast %mul3A_82 : f32 to vector<16xf32>
      %mul3A_84 = arith.mulf %convert_element_type3A_81, %mul3A_83 : vector<16xf32>
      %convert_element_type3A_85 = arith.fptosi %mul3A_84 : vector<16xf32> to vector<16xi32>
      %swap3A_86 = arith.index_cast %scan3A_37 : i32 to index
      %swap3A_87 = arith.constant 48 : index
      %swap3A_88 = tpu.vector_load %arg7[%swap3A_86, %swap3A_87] {strides = array<i32>} : memref<50x128xi32, #tpu.memory_space<vmem>>, vector<1x16xi32>,
      %swap3A_89 = vector.shape_cast %swap3A_88 : vector<1x16xi32> to vector<16xi32>
      %swap3A_90 = vector.shape_cast %convert_element_type3A_85 : vector<16xi32> to vector<1x16xi32>
      tpu.vector_store %arg7[%swap3A_86, %swap3A_87], %swap3A_90 {strides = array<i32>} : memref<50x128xi32, #tpu.memory_space<vmem>>, vector<1x16xi32>,
      %get3A_91 = arith.index_cast %scan3A_37 : i32 to index
      %get3A_92 = arith.constant 64 : index
      %get3A_93 = tpu.vector_load %arg6[%get3A_91, %get3A_92] {strides = array<i32>} : memref<50x128xi32, #tpu.memory_space<vmem>>, vector<1x16xi32>,
      %get3A_94 = vector.shape_cast %get3A_93 : vector<1x16xi32> to vector<16xi32>
      %convert_element_type3A_95 = arith.sitofp %get3A_94 : vector<16xi32> to vector<16xf32>
      %mul3A_96 = arith.constant 0.0166666675 : f32
      %mul3A_97 = vector.broadcast %mul3A_96 : f32 to vector<16xf32>
      %mul3A_98 = arith.mulf %convert_element_type3A_95, %mul3A_97 : vector<16xf32>
      %convert_element_type3A_99 = arith.fptosi %mul3A_98 : vector<16xf32> to vector<16xi32>
      %swap3A_100 = arith.index_cast %scan3A_37 : i32 to index
      %swap3A_101 = arith.constant 64 : index
      %swap3A_102 = tpu.vector_load %arg7[%swap3A_100, %swap3A_101] {strides = array<i32>} : memref<50x128xi32, #tpu.memory_space<vmem>>, vector<1x16xi32>,
      %swap3A_103 = vector.shape_cast %swap3A_102 : vector<1x16xi32> to vector<16xi32>
      %swap3A_104 = vector.shape_cast %convert_element_type3A_99 : vector<16xi32> to vector<1x16xi32>
      tpu.vector_store %arg7[%swap3A_100, %swap3A_101], %swap3A_104 {strides = array<i32>} : memref<50x128xi32, #tpu.memory_space<vmem>>, vector<1x16xi32>,
      %get3A_105 = arith.index_cast %scan3A_37 : i32 to index
      %get3A_106 = arith.constant 80 : index
      %get3A_107 = tpu.vector_load %arg6[%get3A_105, %get3A_106] {strides = array<i32>} : memref<50x128xi32, #tpu.memory_space<vmem>>, vector<1x16xi32>,
      %get3A_108 = vector.shape_cast %get3A_107 : vector<1x16xi32> to vector<16xi32>
      %convert_element_type3A_109 = arith.sitofp %get3A_108 : vector<16xi32> to vector<16xf32>
      %mul3A_110 = arith.constant 0.0166666675 : f32
      %mul3A_111 = vector.broadcast %mul3A_110 : f32 to vector<16xf32>
      %mul3A_112 = arith.mulf %convert_element_type3A_109, %mul3A_111 : vector<16xf32>
      %convert_element_type3A_113 = arith.fptosi %mul3A_112 : vector<16xf32> to vector<16xi32>
      %swap3A_114 = arith.index_cast %scan3A_37 : i32 to index
      %swap3A_115 = arith.constant 80 : index
      %swap3A_116 = tpu.vector_load %arg7[%swap3A_114, %swap3A_115] {strides = array<i32>} : memref<50x128xi32, #tpu.memory_space<vmem>>, vector<1x16xi32>,
      %swap3A_117 = vector.shape_cast %swap3A_116 : vector<1x16xi32> to vector<16xi32>
      %swap3A_118 = vector.shape_cast %convert_element_type3A_113 : vector<16xi32> to vector<1x16xi32>
      tpu.vector_store %arg7[%swap3A_114, %swap3A_115], %swap3A_118 {strides = array<i32>} : memref<50x128xi32, #tpu.memory_space<vmem>>, vector<1x16xi32>,
      %get3A_119 = arith.index_cast %scan3A_37 : i32 to index
      %get3A_120 = arith.constant 96 : index
      %get3A_121 = tpu.vector_load %arg6[%get3A_119, %get3A_120] {strides = array<i32>} : memref<50x128xi32, #tpu.memory_space<vmem>>, vector<1x16xi32>,
      %get3A_122 = vector.shape_cast %get3A_121 : vector<1x16xi32> to vector<16xi32>
      %convert_element_type3A_123 = arith.sitofp %get3A_122 : vector<16xi32> to vector<16xf32>
      %mul3A_124 = arith.constant 0.0166666675 : f32
      %mul3A_125 = vector.broadcast %mul3A_124 : f32 to vector<16xf32>
      %mul3A_126 = arith.mulf %convert_element_type3A_123, %mul3A_125 : vector<16xf32>
      %convert_element_type3A_127 = arith.fptosi %mul3A_126 : vector<16xf32> to vector<16xi32>
      %swap3A_128 = arith.index_cast %scan3A_37 : i32 to index
      %swap3A_129 = arith.constant 96 : index
      %swap3A_130 = tpu.vector_load %arg7[%swap3A_128, %swap3A_129] {strides = array<i32>} : memref<50x128xi32, #tpu.memory_space<vmem>>, vector<1x16xi32>,
      %swap3A_131 = vector.shape_cast %swap3A_130 : vector<1x16xi32> to vector<16xi32>
      %swap3A_132 = vector.shape_cast %convert_element_type3A_127 : vector<16xi32> to vector<1x16xi32>
      tpu.vector_store %arg7[%swap3A_128, %swap3A_129], %swap3A_132 {strides = array<i32>} : memref<50x128xi32, #tpu.memory_space<vmem>>, vector<1x16xi32>,
      %get3A_133 = arith.index_cast %scan3A_37 : i32 to index
      %get3A_134 = arith.constant 112 : index
      %get3A_135 = tpu.vector_load %arg6[%get3A_133, %get3A_134] {strides = array<i32>} : memref<50x128xi32, #tpu.memory_space<vmem>>, vector<1x16xi32>,
      %get3A_136 = vector.shape_cast %get3A_135 : vector<1x16xi32> to vector<16xi32>
      %convert_element_type3A_137 = arith.sitofp %get3A_136 : vector<16xi32> to vector<16xf32>
      %mul3A_138 = arith.constant 0.0166666675 : f32
      %mul3A_139 = vector.broadcast %mul3A_138 : f32 to vector<16xf32>
      %mul3A_140 = arith.mulf %convert_element_type3A_137, %mul3A_139 : vector<16xf32>
      %convert_element_type3A_141 = arith.fptosi %mul3A_140 : vector<16xf32> to vector<16xi32>
      %swap3A_142 = arith.index_cast %scan3A_37 : i32 to index
      %swap3A_143 = arith.constant 112 : index
      %swap3A_144 = tpu.vector_load %arg7[%swap3A_142, %swap3A_143] {strides = array<i32>} : memref<50x128xi32, #tpu.memory_space<vmem>>, vector<1x16xi32>,
      %swap3A_145 = vector.shape_cast %swap3A_144 : vector<1x16xi32> to vector<16xi32>
      %swap3A_146 = vector.shape_cast %convert_element_type3A_141 : vector<16xi32> to vector<1x16xi32>
      tpu.vector_store %arg7[%swap3A_142, %swap3A_143], %swap3A_146 {strides = array<i32>} : memref<50x128xi32, #tpu.memory_space<vmem>>, vector<1x16xi32>,
    }
    %scan3A_7 = arith.constant 50 : i32
    %dma_start3A = arith.constant 0 : i32
    %dma_start3A_8 = arith.constant 0 : i32
    %dma_start3A_9 = arith.constant 0 : i32
    %dma_start3A_10 = arith.constant 0 : i32
    %dma_start3A_11 = tpu.memref_slice %arg8[%dma_start3A_8, %dma_start3A_9, %dma_start3A_10] : memref<2x128x64xf32, #tpu.memory_space<vmem>> -> memref<1x128x64xf32, #tpu.memory_space<vmem>>
    %dma_start3A_12 = tpu.memref_squeeze %dma_start3A_11 : memref<1x128x64xf32, #tpu.memory_space<vmem>> -> memref<128x64xf32, #tpu.memory_space<vmem>>
    %dma_start3A_13 = arith.constant 0 : i32
    %dma_start3A_14 = tpu.memref_slice %arg6[%dma_start3A, %dma_start3A_13] : memref<50x128xi32, #tpu.memory_space<vmem>> -> memref<1x128xi32, #tpu.memory_space<vmem>>
    %dma_start3A_15 = tpu.memref_squeeze %dma_start3A_14 : memref<1x128xi32, #tpu.memory_space<vmem>> -> memref<128xi32, #tpu.memory_space<vmem>>
    %dma_start3A_16 = arith.constant 0 : i32
    %dma_start3A_17 = arith.constant 0 : i32
    %dma_start3A_18 = tpu.memref_slice %arg3[%dma_start3A_16, %dma_start3A_17] : memref<432000x64xf32, #tpu.memory_space<hbm>> -> memref<432000x64xf32, #tpu.memory_space<hbm>>
    tpu.enqueue_indirect_dma source(%dma_start3A_18 : memref<432000x64xf32, #tpu.memory_space<hbm>>) target(%dma_start3A_12 : memref<128x64xf32, #tpu.memory_space<vmem>>) offsets(%dma_start3A_15 : memref<128xi32, #tpu.memory_space<vmem>>) semaphore(%arg10 : memref<!tpu.dma_semaphore, #tpu.memory_space<semaphore_mem>>)
    %dma_start3A_19 = arith.constant 0 : i32
    %dma_start3A_20 = arith.constant 0 : i32
    %dma_start3A_21 = arith.constant 0 : i32
    %dma_start3A_22 = arith.constant 0 : i32
    %dma_start3A_23 = tpu.memref_slice %arg9[%dma_start3A_20, %dma_start3A_21, %dma_start3A_22] : memref<2x128x64xf32, #tpu.memory_space<vmem>> -> memref<1x128x64xf32, #tpu.memory_space<vmem>>
    %dma_start3A_24 = tpu.memref_squeeze %dma_start3A_23 : memref<1x128x64xf32, #tpu.memory_space<vmem>> -> memref<128x64xf32, #tpu.memory_space<vmem>>
    %dma_start3A_25 = arith.constant 0 : i32
    %dma_start3A_26 = tpu.memref_slice %arg7[%dma_start3A_19, %dma_start3A_25] : memref<50x128xi32, #tpu.memory_space<vmem>> -> memref<1x128xi32, #tpu.memory_space<vmem>>
    %dma_start3A_27 = tpu.memref_squeeze %dma_start3A_26 : memref<1x128xi32, #tpu.memory_space<vmem>> -> memref<128xi32, #tpu.memory_space<vmem>>
    %dma_start3A_28 = arith.constant 0 : i32
    %dma_start3A_29 = arith.constant 0 : i32
    %dma_start3A_30 = tpu.memref_slice %arg4[%dma_start3A_28, %dma_start3A_29] : memref<7200x64xf32, #tpu.memory_space<hbm>> -> memref<7200x64xf32, #tpu.memory_space<hbm>>
    tpu.enqueue_indirect_dma source(%dma_start3A_30 : memref<7200x64xf32, #tpu.memory_space<hbm>>) target(%dma_start3A_24 : memref<128x64xf32, #tpu.memory_space<vmem>>) offsets(%dma_start3A_27 : memref<128xi32, #tpu.memory_space<vmem>>) semaphore(%arg10 : memref<!tpu.dma_semaphore, #tpu.memory_space<semaphore_mem>>)
    %scan3A_31 = arith.constant 0 : i32
    %scan3A_32 = arith.constant 0 : i32
    %scan3A_33 = arith.constant 25 : i32
    %scan3A_34 = arith.addi %scan3A_32, %scan3A_33 : i32
    %scan3A_35 = arith.constant 1 : i32
    scf.for %scan3A_37 = %scan3A_32 to %scan3A_34 step %scan3A_35  : i32 {
      %mul3A_38 = arith.constant 2 : i32
      %mul3A_39 = arith.muli %mul3A_38, %scan3A_37 : i32
      %add3A_40 = arith.constant 0 : i32
      %add3A_41 = arith.addi %mul3A_39, %add3A_40 : i32
      %lt3A = arith.constant 49 : i32
      %lt3A_42 = arith.cmpi slt, %add3A_41, %lt3A : i32
      %convert_element_type3A = arith.extui %lt3A_42 : i1 to i32
      %cond3A = arith.constant 0 : i32
      %cond3A_43 = arith.cmpi ne, %convert_element_type3A, %cond3A : i32
      scf.if %cond3A_43 {
        %add3A_113 = arith.constant 1 : i32
        %add3A_114 = arith.addi %add3A_41, %add3A_113 : i32
        %dma_start3A_115 = arith.constant 1 : i32
        %dma_start3A_116 = arith.constant 0 : i32
        %dma_start3A_117 = arith.constant 0 : i32
        %dma_start3A_118 = tpu.memref_slice %arg8[%dma_start3A_115, %dma_start3A_116, %dma_start3A_117] : memref<2x128x64xf32, #tpu.memory_space<vmem>> -> memref<1x128x64xf32, #tpu.memory_space<vmem>>
        %dma_start3A_119 = tpu.memref_squeeze %dma_start3A_118 : memref<1x128x64xf32, #tpu.memory_space<vmem>> -> memref<128x64xf32, #tpu.memory_space<vmem>>
        %dma_start3A_120 = arith.constant 0 : i32
        %dma_start3A_121 = tpu.memref_slice %arg6[%add3A_114, %dma_start3A_120] : memref<50x128xi32, #tpu.memory_space<vmem>> -> memref<1x128xi32, #tpu.memory_space<vmem>>
        %dma_start3A_122 = tpu.memref_squeeze %dma_start3A_121 : memref<1x128xi32, #tpu.memory_space<vmem>> -> memref<128xi32, #tpu.memory_space<vmem>>
        %dma_start3A_123 = arith.constant 0 : i32
        %dma_start3A_124 = arith.constant 0 : i32
        %dma_start3A_125 = tpu.memref_slice %arg3[%dma_start3A_123, %dma_start3A_124] : memref<432000x64xf32, #tpu.memory_space<hbm>> -> memref<432000x64xf32, #tpu.memory_space<hbm>>
        tpu.enqueue_indirect_dma source(%dma_start3A_125 : memref<432000x64xf32, #tpu.memory_space<hbm>>) target(%dma_start3A_119 : memref<128x64xf32, #tpu.memory_space<vmem>>) offsets(%dma_start3A_122 : memref<128xi32, #tpu.memory_space<vmem>>) semaphore(%arg11 : memref<!tpu.dma_semaphore, #tpu.memory_space<semaphore_mem>>)
        %dma_start3A_126 = arith.constant 1 : i32
        %dma_start3A_127 = arith.constant 0 : i32
        %dma_start3A_128 = arith.constant 0 : i32
        %dma_start3A_129 = tpu.memref_slice %arg9[%dma_start3A_126, %dma_start3A_127, %dma_start3A_128] : memref<2x128x64xf32, #tpu.memory_space<vmem>> -> memref<1x128x64xf32, #tpu.memory_space<vmem>>
        %dma_start3A_130 = tpu.memref_squeeze %dma_start3A_129 : memref<1x128x64xf32, #tpu.memory_space<vmem>> -> memref<128x64xf32, #tpu.memory_space<vmem>>
        %dma_start3A_131 = arith.constant 0 : i32
        %dma_start3A_132 = tpu.memref_slice %arg7[%add3A_114, %dma_start3A_131] : memref<50x128xi32, #tpu.memory_space<vmem>> -> memref<1x128xi32, #tpu.memory_space<vmem>>
        %dma_start3A_133 = tpu.memref_squeeze %dma_start3A_132 : memref<1x128xi32, #tpu.memory_space<vmem>> -> memref<128xi32, #tpu.memory_space<vmem>>
        %dma_start3A_134 = arith.constant 0 : i32
        %dma_start3A_135 = arith.constant 0 : i32
        %dma_start3A_136 = tpu.memref_slice %arg4[%dma_start3A_134, %dma_start3A_135] : memref<7200x64xf32, #tpu.memory_space<hbm>> -> memref<7200x64xf32, #tpu.memory_space<hbm>>
        tpu.enqueue_indirect_dma source(%dma_start3A_136 : memref<7200x64xf32, #tpu.memory_space<hbm>>) target(%dma_start3A_130 : memref<128x64xf32, #tpu.memory_space<vmem>>) offsets(%dma_start3A_133 : memref<128xi32, #tpu.memory_space<vmem>>) semaphore(%arg11 : memref<!tpu.dma_semaphore, #tpu.memory_space<semaphore_mem>>)
      } else {
      }
      %dma_wait3A = arith.constant 0 : i32
      %dma_wait3A_44 = arith.constant 0 : i32
      %dma_wait3A_45 = arith.constant 0 : i32
      %dma_wait3A_46 = tpu.memref_slice %arg8[%dma_wait3A, %dma_wait3A_44, %dma_wait3A_45] : memref<2x128x64xf32, #tpu.memory_space<vmem>> -> memref<1x128x64xf32, #tpu.memory_space<vmem>>
      %dma_wait3A_47 = tpu.memref_squeeze %dma_wait3A_46 : memref<1x128x64xf32, #tpu.memory_space<vmem>> -> memref<128x64xf32, #tpu.memory_space<vmem>>
      %dma_wait3A_48 = arith.constant 0 : i32
      %dma_wait3A_49 = tpu.memref_slice %arg6[%add3A_41, %dma_wait3A_48] : memref<50x128xi32, #tpu.memory_space<vmem>> -> memref<1x128xi32, #tpu.memory_space<vmem>>
      %dma_wait3A_50 = tpu.memref_squeeze %dma_wait3A_49 : memref<1x128xi32, #tpu.memory_space<vmem>> -> memref<128xi32, #tpu.memory_space<vmem>>
      %dma_wait3A_51 = arith.constant 0 : i32
      %dma_wait3A_52 = arith.constant 0 : i32
      %dma_wait3A_53 = tpu.memref_slice %arg3[%dma_wait3A_51, %dma_wait3A_52] : memref<432000x64xf32, #tpu.memory_space<hbm>> -> memref<432000x64xf32, #tpu.memory_space<hbm>>
      tpu.wait_indirect_dma semaphore(%arg10 : memref<!tpu.dma_semaphore, #tpu.memory_space<semaphore_mem>>) src(%dma_wait3A_53 : memref<432000x64xf32, #tpu.memory_space<hbm>>) dst(%dma_wait3A_47 : memref<128x64xf32, #tpu.memory_space<vmem>>)
      %dma_wait3A_54 = arith.constant 0 : i32
      %dma_wait3A_55 = arith.constant 0 : i32
      %dma_wait3A_56 = arith.constant 0 : i32
      %dma_wait3A_57 = tpu.memref_slice %arg9[%dma_wait3A_54, %dma_wait3A_55, %dma_wait3A_56] : memref<2x128x64xf32, #tpu.memory_space<vmem>> -> memref<1x128x64xf32, #tpu.memory_space<vmem>>
      %dma_wait3A_58 = tpu.memref_squeeze %dma_wait3A_57 : memref<1x128x64xf32, #tpu.memory_space<vmem>> -> memref<128x64xf32, #tpu.memory_space<vmem>>
      %dma_wait3A_59 = arith.constant 0 : i32
      %dma_wait3A_60 = tpu.memref_slice %arg7[%add3A_41, %dma_wait3A_59] : memref<50x128xi32, #tpu.memory_space<vmem>> -> memref<1x128xi32, #tpu.memory_space<vmem>>
      %dma_wait3A_61 = tpu.memref_squeeze %dma_wait3A_60 : memref<1x128xi32, #tpu.memory_space<vmem>> -> memref<128xi32, #tpu.memory_space<vmem>>
      %dma_wait3A_62 = arith.constant 0 : i32
      %dma_wait3A_63 = arith.constant 0 : i32
      %dma_wait3A_64 = tpu.memref_slice %arg4[%dma_wait3A_62, %dma_wait3A_63] : memref<7200x64xf32, #tpu.memory_space<hbm>> -> memref<7200x64xf32, #tpu.memory_space<hbm>>
      tpu.wait_indirect_dma semaphore(%arg10 : memref<!tpu.dma_semaphore, #tpu.memory_space<semaphore_mem>>) src(%dma_wait3A_64 : memref<7200x64xf32, #tpu.memory_space<hbm>>) dst(%dma_wait3A_58 : memref<128x64xf32, #tpu.memory_space<vmem>>)
      %scan3A_65 = arith.constant 0 : i32
      %scan3A_66 = arith.constant 0 : i32
      %scan3A_67 = arith.constant 32 : i32
      %scan3A_68 = arith.addi %scan3A_66, %scan3A_67 : i32
      %scan3A_69 = arith.constant 1 : i32
      scf.for %scan3A_113 = %scan3A_66 to %scan3A_68 step %scan3A_69  : i32 {
        %mul3A_114 = arith.constant 4 : i32
        %mul3A_115 = arith.muli %scan3A_113, %mul3A_114 : i32
        %add3A_116 = arith.constant 0 : i32
        %add3A_117 = arith.addi %mul3A_115, %add3A_116 : i32
        %get3A = arith.constant 0 : i32
        %get3A_118 = arith.index_cast %get3A : i32 to index
        %get3A_119 = arith.index_cast %add3A_117 : i32 to index
        %get3A_120 = arith.constant 0 : index
        %get3A_121 = tpu.vector_load %arg8[%get3A_118, %get3A_119, %get3A_120] {strides = array<i32>} : memref<2x128x64xf32, #tpu.memory_space<vmem>>, vector<1x1x16xf32>,
        %get3A_122 = vector.shape_cast %get3A_121 : vector<1x1x16xf32> to vector<16xf32>
        %get3A_123 = arith.constant 0 : i32
        %get3A_124 = arith.index_cast %get3A_123 : i32 to index
        %get3A_125 = arith.index_cast %add3A_117 : i32 to index
        %get3A_126 = arith.constant 0 : index
        %get3A_127 = tpu.vector_load %arg9[%get3A_124, %get3A_125, %get3A_126] {strides = array<i32>} : memref<2x128x64xf32, #tpu.memory_space<vmem>>, vector<1x1x16xf32>,
        %get3A_128 = vector.shape_cast %get3A_127 : vector<1x1x16xf32> to vector<16xf32>
        %add3A_129 = arith.addf %get3A_122, %get3A_128 : vector<16xf32>
        %swap3A = arith.constant 0 : i32
        %swap3A_130 = arith.index_cast %swap3A : i32 to index
        %swap3A_131 = arith.index_cast %add3A_117 : i32 to index
        %swap3A_132 = arith.constant 0 : index
        %swap3A_133 = tpu.vector_load %arg8[%swap3A_130, %swap3A_131, %swap3A_132] {strides = array<i32>} : memref<2x128x64xf32, #tpu.memory_space<vmem>>, vector<1x1x16xf32>,
        %swap3A_134 = vector.shape_cast %swap3A_133 : vector<1x1x16xf32> to vector<16xf32>
        %swap3A_135 = vector.shape_cast %add3A_129 : vector<16xf32> to vector<1x1x16xf32>
        tpu.vector_store %arg8[%swap3A_130, %swap3A_131, %swap3A_132], %swap3A_135 {strides = array<i32>} : memref<2x128x64xf32, #tpu.memory_space<vmem>>, vector<1x1x16xf32>,
        %get3A_136 = arith.constant 0 : i32
        %get3A_137 = arith.index_cast %get3A_136 : i32 to index
        %get3A_138 = arith.index_cast %add3A_117 : i32 to index
        %get3A_139 = arith.constant 16 : index
        %get3A_140 = tpu.vector_load %arg8[%get3A_137, %get3A_138, %get3A_139] {strides = array<i32>} : memref<2x128x64xf32, #tpu.memory_space<vmem>>, vector<1x1x16xf32>,
        %get3A_141 = vector.shape_cast %get3A_140 : vector<1x1x16xf32> to vector<16xf32>
        %get3A_142 = arith.constant 0 : i32
        %get3A_143 = arith.index_cast %get3A_142 : i32 to index
        %get3A_144 = arith.index_cast %add3A_117 : i32 to index
        %get3A_145 = arith.constant 16 : index
        %get3A_146 = tpu.vector_load %arg9[%get3A_143, %get3A_144, %get3A_145] {strides = array<i32>} : memref<2x128x64xf32, #tpu.memory_space<vmem>>, vector<1x1x16xf32>,
        %get3A_147 = vector.shape_cast %get3A_146 : vector<1x1x16xf32> to vector<16xf32>
        %add3A_148 = arith.addf %get3A_141, %get3A_147 : vector<16xf32>
        %swap3A_149 = arith.constant 0 : i32
        %swap3A_150 = arith.index_cast %swap3A_149 : i32 to index
        %swap3A_151 = arith.index_cast %add3A_117 : i32 to index
        %swap3A_152 = arith.constant 16 : index
        %swap3A_153 = tpu.vector_load %arg8[%swap3A_150, %swap3A_151, %swap3A_152] {strides = array<i32>} : memref<2x128x64xf32, #tpu.memory_space<vmem>>, vector<1x1x16xf32>,
        %swap3A_154 = vector.shape_cast %swap3A_153 : vector<1x1x16xf32> to vector<16xf32>
        %swap3A_155 = vector.shape_cast %add3A_148 : vector<16xf32> to vector<1x1x16xf32>
        tpu.vector_store %arg8[%swap3A_150, %swap3A_151, %swap3A_152], %swap3A_155 {strides = array<i32>} : memref<2x128x64xf32, #tpu.memory_space<vmem>>, vector<1x1x16xf32>,
        %get3A_156 = arith.constant 0 : i32
        %get3A_157 = arith.index_cast %get3A_156 : i32 to index
        %get3A_158 = arith.index_cast %add3A_117 : i32 to index
        %get3A_159 = arith.constant 32 : index
        %get3A_160 = tpu.vector_load %arg8[%get3A_157, %get3A_158, %get3A_159] {strides = array<i32>} : memref<2x128x64xf32, #tpu.memory_space<vmem>>, vector<1x1x16xf32>,
        %get3A_161 = vector.shape_cast %get3A_160 : vector<1x1x16xf32> to vector<16xf32>
        %get3A_162 = arith.constant 0 : i32
        %get3A_163 = arith.index_cast %get3A_162 : i32 to index
        %get3A_164 = arith.index_cast %add3A_117 : i32 to index
        %get3A_165 = arith.constant 32 : index
        %get3A_166 = tpu.vector_load %arg9[%get3A_163, %get3A_164, %get3A_165] {strides = array<i32>} : memref<2x128x64xf32, #tpu.memory_space<vmem>>, vector<1x1x16xf32>,
        %get3A_167 = vector.shape_cast %get3A_166 : vector<1x1x16xf32> to vector<16xf32>
        %add3A_168 = arith.addf %get3A_161, %get3A_167 : vector<16xf32>
        %swap3A_169 = arith.constant 0 : i32
        %swap3A_170 = arith.index_cast %swap3A_169 : i32 to index
        %swap3A_171 = arith.index_cast %add3A_117 : i32 to index
        %swap3A_172 = arith.constant 32 : index
        %swap3A_173 = tpu.vector_load %arg8[%swap3A_170, %swap3A_171, %swap3A_172] {strides = array<i32>} : memref<2x128x64xf32, #tpu.memory_space<vmem>>, vector<1x1x16xf32>,
        %swap3A_174 = vector.shape_cast %swap3A_173 : vector<1x1x16xf32> to vector<16xf32>
        %swap3A_175 = vector.shape_cast %add3A_168 : vector<16xf32> to vector<1x1x16xf32>
        tpu.vector_store %arg8[%swap3A_170, %swap3A_171, %swap3A_172], %swap3A_175 {strides = array<i32>} : memref<2x128x64xf32, #tpu.memory_space<vmem>>, vector<1x1x16xf32>,
        %get3A_176 = arith.constant 0 : i32
        %get3A_177 = arith.index_cast %get3A_176 : i32 to index
        %get3A_178 = arith.index_cast %add3A_117 : i32 to index
        %get3A_179 = arith.constant 48 : index
        %get3A_180 = tpu.vector_load %arg8[%get3A_177, %get3A_178, %get3A_179] {strides = array<i32>} : memref<2x128x64xf32, #tpu.memory_space<vmem>>, vector<1x1x16xf32>,
        %get3A_181 = vector.shape_cast %get3A_180 : vector<1x1x16xf32> to vector<16xf32>
        %get3A_182 = arith.constant 0 : i32
        %get3A_183 = arith.index_cast %get3A_182 : i32 to index
        %get3A_184 = arith.index_cast %add3A_117 : i32 to index
        %get3A_185 = arith.constant 48 : index
        %get3A_186 = tpu.vector_load %arg9[%get3A_183, %get3A_184, %get3A_185] {strides = array<i32>} : memref<2x128x64xf32, #tpu.memory_space<vmem>>, vector<1x1x16xf32>,
        %get3A_187 = vector.shape_cast %get3A_186 : vector<1x1x16xf32> to vector<16xf32>
        %add3A_188 = arith.addf %get3A_181, %get3A_187 : vector<16xf32>
        %swap3A_189 = arith.constant 0 : i32
        %swap3A_190 = arith.index_cast %swap3A_189 : i32 to index
        %swap3A_191 = arith.index_cast %add3A_117 : i32 to index
        %swap3A_192 = arith.constant 48 : index
        %swap3A_193 = tpu.vector_load %arg8[%swap3A_190, %swap3A_191, %swap3A_192] {strides = array<i32>} : memref<2x128x64xf32, #tpu.memory_space<vmem>>, vector<1x1x16xf32>,
        %swap3A_194 = vector.shape_cast %swap3A_193 : vector<1x1x16xf32> to vector<16xf32>
        %swap3A_195 = vector.shape_cast %add3A_188 : vector<16xf32> to vector<1x1x16xf32>
        tpu.vector_store %arg8[%swap3A_190, %swap3A_191, %swap3A_192], %swap3A_195 {strides = array<i32>} : memref<2x128x64xf32, #tpu.memory_space<vmem>>, vector<1x1x16xf32>,
        %mul3A_196 = arith.constant 4 : i32
        %mul3A_197 = arith.muli %scan3A_113, %mul3A_196 : i32
        %add3A_198 = arith.constant 1 : i32
        %add3A_199 = arith.addi %mul3A_197, %add3A_198 : i32
        %get3A_200 = arith.constant 0 : i32
        %get3A_201 = arith.index_cast %get3A_200 : i32 to index
        %get3A_202 = arith.index_cast %add3A_199 : i32 to index
        %get3A_203 = arith.constant 0 : index
        %get3A_204 = tpu.vector_load %arg8[%get3A_201, %get3A_202, %get3A_203] {strides = array<i32>} : memref<2x128x64xf32, #tpu.memory_space<vmem>>, vector<1x1x16xf32>,
        %get3A_205 = vector.shape_cast %get3A_204 : vector<1x1x16xf32> to vector<16xf32>
        %get3A_206 = arith.constant 0 : i32
        %get3A_207 = arith.index_cast %get3A_206 : i32 to index
        %get3A_208 = arith.index_cast %add3A_199 : i32 to index
        %get3A_209 = arith.constant 0 : index
        %get3A_210 = tpu.vector_load %arg9[%get3A_207, %get3A_208, %get3A_209] {strides = array<i32>} : memref<2x128x64xf32, #tpu.memory_space<vmem>>, vector<1x1x16xf32>,
        %get3A_211 = vector.shape_cast %get3A_210 : vector<1x1x16xf32> to vector<16xf32>
        %add3A_212 = arith.addf %get3A_205, %get3A_211 : vector<16xf32>
        %swap3A_213 = arith.constant 0 : i32
        %swap3A_214 = arith.index_cast %swap3A_213 : i32 to index
        %swap3A_215 = arith.index_cast %add3A_199 : i32 to index
        %swap3A_216 = arith.constant 0 : index
        %swap3A_217 = tpu.vector_load %arg8[%swap3A_214, %swap3A_215, %swap3A_216] {strides = array<i32>} : memref<2x128x64xf32, #tpu.memory_space<vmem>>, vector<1x1x16xf32>,
        %swap3A_218 = vector.shape_cast %swap3A_217 : vector<1x1x16xf32> to vector<16xf32>
        %swap3A_219 = vector.shape_cast %add3A_212 : vector<16xf32> to vector<1x1x16xf32>
        tpu.vector_store %arg8[%swap3A_214, %swap3A_215, %swap3A_216], %swap3A_219 {strides = array<i32>} : memref<2x128x64xf32, #tpu.memory_space<vmem>>, vector<1x1x16xf32>,
        %get3A_220 = arith.constant 0 : i32
        %get3A_221 = arith.index_cast %get3A_220 : i32 to index
        %get3A_222 = arith.index_cast %add3A_199 : i32 to index
        %get3A_223 = arith.constant 16 : index
        %get3A_224 = tpu.vector_load %arg8[%get3A_221, %get3A_222, %get3A_223] {strides = array<i32>} : memref<2x128x64xf32, #tpu.memory_space<vmem>>, vector<1x1x16xf32>,
        %get3A_225 = vector.shape_cast %get3A_224 : vector<1x1x16xf32> to vector<16xf32>
        %get3A_226 = arith.constant 0 : i32
        %get3A_227 = arith.index_cast %get3A_226 : i32 to index
        %get3A_228 = arith.index_cast %add3A_199 : i32 to index
        %get3A_229 = arith.constant 16 : index
        %get3A_230 = tpu.vector_load %arg9[%get3A_227, %get3A_228, %get3A_229] {strides = array<i32>} : memref<2x128x64xf32, #tpu.memory_space<vmem>>, vector<1x1x16xf32>,
        %get3A_231 = vector.shape_cast %get3A_230 : vector<1x1x16xf32> to vector<16xf32>
        %add3A_232 = arith.addf %get3A_225, %get3A_231 : vector<16xf32>
        %swap3A_233 = arith.constant 0 : i32
        %swap3A_234 = arith.index_cast %swap3A_233 : i32 to index
        %swap3A_235 = arith.index_cast %add3A_199 : i32 to index
        %swap3A_236 = arith.constant 16 : index
        %swap3A_237 = tpu.vector_load %arg8[%swap3A_234, %swap3A_235, %swap3A_236] {strides = array<i32>} : memref<2x128x64xf32, #tpu.memory_space<vmem>>, vector<1x1x16xf32>,
        %swap3A_238 = vector.shape_cast %swap3A_237 : vector<1x1x16xf32> to vector<16xf32>
        %swap3A_239 = vector.shape_cast %add3A_232 : vector<16xf32> to vector<1x1x16xf32>
        tpu.vector_store %arg8[%swap3A_234, %swap3A_235, %swap3A_236], %swap3A_239 {strides = array<i32>} : memref<2x128x64xf32, #tpu.memory_space<vmem>>, vector<1x1x16xf32>,
        %get3A_240 = arith.constant 0 : i32
        %get3A_241 = arith.index_cast %get3A_240 : i32 to index
        %get3A_242 = arith.index_cast %add3A_199 : i32 to index
        %get3A_243 = arith.constant 32 : index
        %get3A_244 = tpu.vector_load %arg8[%get3A_241, %get3A_242, %get3A_243] {strides = array<i32>} : memref<2x128x64xf32, #tpu.memory_space<vmem>>, vector<1x1x16xf32>,
        %get3A_245 = vector.shape_cast %get3A_244 : vector<1x1x16xf32> to vector<16xf32>
        %get3A_246 = arith.constant 0 : i32
        %get3A_247 = arith.index_cast %get3A_246 : i32 to index
        %get3A_248 = arith.index_cast %add3A_199 : i32 to index
        %get3A_249 = arith.constant 32 : index
        %get3A_250 = tpu.vector_load %arg9[%get3A_247, %get3A_248, %get3A_249] {strides = array<i32>} : memref<2x128x64xf32, #tpu.memory_space<vmem>>, vector<1x1x16xf32>,
        %get3A_251 = vector.shape_cast %get3A_250 : vector<1x1x16xf32> to vector<16xf32>
        %add3A_252 = arith.addf %get3A_245, %get3A_251 : vector<16xf32>
        %swap3A_253 = arith.constant 0 : i32
        %swap3A_254 = arith.index_cast %swap3A_253 : i32 to index
        %swap3A_255 = arith.index_cast %add3A_199 : i32 to index
        %swap3A_256 = arith.constant 32 : index
        %swap3A_257 = tpu.vector_load %arg8[%swap3A_254, %swap3A_255, %swap3A_256] {strides = array<i32>} : memref<2x128x64xf32, #tpu.memory_space<vmem>>, vector<1x1x16xf32>,
        %swap3A_258 = vector.shape_cast %swap3A_257 : vector<1x1x16xf32> to vector<16xf32>
        %swap3A_259 = vector.shape_cast %add3A_252 : vector<16xf32> to vector<1x1x16xf32>
        tpu.vector_store %arg8[%swap3A_254, %swap3A_255, %swap3A_256], %swap3A_259 {strides = array<i32>} : memref<2x128x64xf32, #tpu.memory_space<vmem>>, vector<1x1x16xf32>,
        %get3A_260 = arith.constant 0 : i32
        %get3A_261 = arith.index_cast %get3A_260 : i32 to index
        %get3A_262 = arith.index_cast %add3A_199 : i32 to index
        %get3A_263 = arith.constant 48 : index
        %get3A_264 = tpu.vector_load %arg8[%get3A_261, %get3A_262, %get3A_263] {strides = array<i32>} : memref<2x128x64xf32, #tpu.memory_space<vmem>>, vector<1x1x16xf32>,
        %get3A_265 = vector.shape_cast %get3A_264 : vector<1x1x16xf32> to vector<16xf32>
        %get3A_266 = arith.constant 0 : i32
        %get3A_267 = arith.index_cast %get3A_266 : i32 to index
        %get3A_268 = arith.index_cast %add3A_199 : i32 to index
        %get3A_269 = arith.constant 48 : index
        %get3A_270 = tpu.vector_load %arg9[%get3A_267, %get3A_268, %get3A_269] {strides = array<i32>} : memref<2x128x64xf32, #tpu.memory_space<vmem>>, vector<1x1x16xf32>,
        %get3A_271 = vector.shape_cast %get3A_270 : vector<1x1x16xf32> to vector<16xf32>
        %add3A_272 = arith.addf %get3A_265, %get3A_271 : vector<16xf32>
        %swap3A_273 = arith.constant 0 : i32
        %swap3A_274 = arith.index_cast %swap3A_273 : i32 to index
        %swap3A_275 = arith.index_cast %add3A_199 : i32 to index
        %swap3A_276 = arith.constant 48 : index
        %swap3A_277 = tpu.vector_load %arg8[%swap3A_274, %swap3A_275, %swap3A_276] {strides = array<i32>} : memref<2x128x64xf32, #tpu.memory_space<vmem>>, vector<1x1x16xf32>,
        %swap3A_278 = vector.shape_cast %swap3A_277 : vector<1x1x16xf32> to vector<16xf32>
        %swap3A_279 = vector.shape_cast %add3A_272 : vector<16xf32> to vector<1x1x16xf32>
        tpu.vector_store %arg8[%swap3A_274, %swap3A_275, %swap3A_276], %swap3A_279 {strides = array<i32>} : memref<2x128x64xf32, #tpu.memory_space<vmem>>, vector<1x1x16xf32>,
        %mul3A_280 = arith.constant 4 : i32
        %mul3A_281 = arith.muli %scan3A_113, %mul3A_280 : i32
        %add3A_282 = arith.constant 2 : i32
        %add3A_283 = arith.addi %mul3A_281, %add3A_282 : i32
        %get3A_284 = arith.constant 0 : i32
        %get3A_285 = arith.index_cast %get3A_284 : i32 to index
        %get3A_286 = arith.index_cast %add3A_283 : i32 to index
        %get3A_287 = arith.constant 0 : index
        %get3A_288 = tpu.vector_load %arg8[%get3A_285, %get3A_286, %get3A_287] {strides = array<i32>} : memref<2x128x64xf32, #tpu.memory_space<vmem>>, vector<1x1x16xf32>,
        %get3A_289 = vector.shape_cast %get3A_288 : vector<1x1x16xf32> to vector<16xf32>
        %get3A_290 = arith.constant 0 : i32
        %get3A_291 = arith.index_cast %get3A_290 : i32 to index
        %get3A_292 = arith.index_cast %add3A_283 : i32 to index
        %get3A_293 = arith.constant 0 : index
        %get3A_294 = tpu.vector_load %arg9[%get3A_291, %get3A_292, %get3A_293] {strides = array<i32>} : memref<2x128x64xf32, #tpu.memory_space<vmem>>, vector<1x1x16xf32>,
        %get3A_295 = vector.shape_cast %get3A_294 : vector<1x1x16xf32> to vector<16xf32>
        %add3A_296 = arith.addf %get3A_289, %get3A_295 : vector<16xf32>
        %swap3A_297 = arith.constant 0 : i32
        %swap3A_298 = arith.index_cast %swap3A_297 : i32 to index
        %swap3A_299 = arith.index_cast %add3A_283 : i32 to index
        %swap3A_300 = arith.constant 0 : index
        %swap3A_301 = tpu.vector_load %arg8[%swap3A_298, %swap3A_299, %swap3A_300] {strides = array<i32>} : memref<2x128x64xf32, #tpu.memory_space<vmem>>, vector<1x1x16xf32>,
        %swap3A_302 = vector.shape_cast %swap3A_301 : vector<1x1x16xf32> to vector<16xf32>
        %swap3A_303 = vector.shape_cast %add3A_296 : vector<16xf32> to vector<1x1x16xf32>
        tpu.vector_store %arg8[%swap3A_298, %swap3A_299, %swap3A_300], %swap3A_303 {strides = array<i32>} : memref<2x128x64xf32, #tpu.memory_space<vmem>>, vector<1x1x16xf32>,
        %get3A_304 = arith.constant 0 : i32
        %get3A_305 = arith.index_cast %get3A_304 : i32 to index
        %get3A_306 = arith.index_cast %add3A_283 : i32 to index
        %get3A_307 = arith.constant 16 : index
        %get3A_308 = tpu.vector_load %arg8[%get3A_305, %get3A_306, %get3A_307] {strides = array<i32>} : memref<2x128x64xf32, #tpu.memory_space<vmem>>, vector<1x1x16xf32>,
        %get3A_309 = vector.shape_cast %get3A_308 : vector<1x1x16xf32> to vector<16xf32>
        %get3A_310 = arith.constant 0 : i32
        %get3A_311 = arith.index_cast %get3A_310 : i32 to index
        %get3A_312 = arith.index_cast %add3A_283 : i32 to index
        %get3A_313 = arith.constant 16 : index
        %get3A_314 = tpu.vector_load %arg9[%get3A_311, %get3A_312, %get3A_313] {strides = array<i32>} : memref<2x128x64xf32, #tpu.memory_space<vmem>>, vector<1x1x16xf32>,
        %get3A_315 = vector.shape_cast %get3A_314 : vector<1x1x16xf32> to vector<16xf32>
        %add3A_316 = arith.addf %get3A_309, %get3A_315 : vector<16xf32>
        %swap3A_317 = arith.constant 0 : i32
        %swap3A_318 = arith.index_cast %swap3A_317 : i32 to index
        %swap3A_319 = arith.index_cast %add3A_283 : i32 to index
        %swap3A_320 = arith.constant 16 : index
        %swap3A_321 = tpu.vector_load %arg8[%swap3A_318, %swap3A_319, %swap3A_320] {strides = array<i32>} : memref<2x128x64xf32, #tpu.memory_space<vmem>>, vector<1x1x16xf32>,
        %swap3A_322 = vector.shape_cast %swap3A_321 : vector<1x1x16xf32> to vector<16xf32>
        %swap3A_323 = vector.shape_cast %add3A_316 : vector<16xf32> to vector<1x1x16xf32>
        tpu.vector_store %arg8[%swap3A_318, %swap3A_319, %swap3A_320], %swap3A_323 {strides = array<i32>} : memref<2x128x64xf32, #tpu.memory_space<vmem>>, vector<1x1x16xf32>,
        %get3A_324 = arith.constant 0 : i32
        %get3A_325 = arith.index_cast %get3A_324 : i32 to index
        %get3A_326 = arith.index_cast %add3A_283 : i32 to index
        %get3A_327 = arith.constant 32 : index
        %get3A_328 = tpu.vector_load %arg8[%get3A_325, %get3A_326, %get3A_327] {strides = array<i32>} : memref<2x128x64xf32, #tpu.memory_space<vmem>>, vector<1x1x16xf32>,
        %get3A_329 = vector.shape_cast %get3A_328 : vector<1x1x16xf32> to vector<16xf32>
        %get3A_330 = arith.constant 0 : i32
        %get3A_331 = arith.index_cast %get3A_330 : i32 to index
        %get3A_332 = arith.index_cast %add3A_283 : i32 to index
        %get3A_333 = arith.constant 32 : index
        %get3A_334 = tpu.vector_load %arg9[%get3A_331, %get3A_332, %get3A_333] {strides = array<i32>} : memref<2x128x64xf32, #tpu.memory_space<vmem>>, vector<1x1x16xf32>,
        %get3A_335 = vector.shape_cast %get3A_334 : vector<1x1x16xf32> to vector<16xf32>
        %add3A_336 = arith.addf %get3A_329, %get3A_335 : vector<16xf32>
        %swap3A_337 = arith.constant 0 : i32
        %swap3A_338 = arith.index_cast %swap3A_337 : i32 to index
        %swap3A_339 = arith.index_cast %add3A_283 : i32 to index
        %swap3A_340 = arith.constant 32 : index
        %swap3A_341 = tpu.vector_load %arg8[%swap3A_338, %swap3A_339, %swap3A_340] {strides = array<i32>} : memref<2x128x64xf32, #tpu.memory_space<vmem>>, vector<1x1x16xf32>,
        %swap3A_342 = vector.shape_cast %swap3A_341 : vector<1x1x16xf32> to vector<16xf32>
        %swap3A_343 = vector.shape_cast %add3A_336 : vector<16xf32> to vector<1x1x16xf32>
        tpu.vector_store %arg8[%swap3A_338, %swap3A_339, %swap3A_340], %swap3A_343 {strides = array<i32>} : memref<2x128x64xf32, #tpu.memory_space<vmem>>, vector<1x1x16xf32>,
        %get3A_344 = arith.constant 0 : i32
        %get3A_345 = arith.index_cast %get3A_344 : i32 to index
        %get3A_346 = arith.index_cast %add3A_283 : i32 to index
        %get3A_347 = arith.constant 48 : index
        %get3A_348 = tpu.vector_load %arg8[%get3A_345, %get3A_346, %get3A_347] {strides = array<i32>} : memref<2x128x64xf32, #tpu.memory_space<vmem>>, vector<1x1x16xf32>,
        %get3A_349 = vector.shape_cast %get3A_348 : vector<1x1x16xf32> to vector<16xf32>
        %get3A_350 = arith.constant 0 : i32
        %get3A_351 = arith.index_cast %get3A_350 : i32 to index
        %get3A_352 = arith.index_cast %add3A_283 : i32 to index
        %get3A_353 = arith.constant 48 : index
        %get3A_354 = tpu.vector_load %arg9[%get3A_351, %get3A_352, %get3A_353] {strides = array<i32>} : memref<2x128x64xf32, #tpu.memory_space<vmem>>, vector<1x1x16xf32>,
        %get3A_355 = vector.shape_cast %get3A_354 : vector<1x1x16xf32> to vector<16xf32>
        %add3A_356 = arith.addf %get3A_349, %get3A_355 : vector<16xf32>
        %swap3A_357 = arith.constant 0 : i32
        %swap3A_358 = arith.index_cast %swap3A_357 : i32 to index
        %swap3A_359 = arith.index_cast %add3A_283 : i32 to index
        %swap3A_360 = arith.constant 48 : index
        %swap3A_361 = tpu.vector_load %arg8[%swap3A_358, %swap3A_359, %swap3A_360] {strides = array<i32>} : memref<2x128x64xf32, #tpu.memory_space<vmem>>, vector<1x1x16xf32>,
        %swap3A_362 = vector.shape_cast %swap3A_361 : vector<1x1x16xf32> to vector<16xf32>
        %swap3A_363 = vector.shape_cast %add3A_356 : vector<16xf32> to vector<1x1x16xf32>
        tpu.vector_store %arg8[%swap3A_358, %swap3A_359, %swap3A_360], %swap3A_363 {strides = array<i32>} : memref<2x128x64xf32, #tpu.memory_space<vmem>>, vector<1x1x16xf32>,
        %mul3A_364 = arith.constant 4 : i32
        %mul3A_365 = arith.muli %scan3A_113, %mul3A_364 : i32
        %add3A_366 = arith.constant 3 : i32
        %add3A_367 = arith.addi %mul3A_365, %add3A_366 : i32
        %get3A_368 = arith.constant 0 : i32
        %get3A_369 = arith.index_cast %get3A_368 : i32 to index
        %get3A_370 = arith.index_cast %add3A_367 : i32 to index
        %get3A_371 = arith.constant 0 : index
        %get3A_372 = tpu.vector_load %arg8[%get3A_369, %get3A_370, %get3A_371] {strides = array<i32>} : memref<2x128x64xf32, #tpu.memory_space<vmem>>, vector<1x1x16xf32>,
        %get3A_373 = vector.shape_cast %get3A_372 : vector<1x1x16xf32> to vector<16xf32>
        %get3A_374 = arith.constant 0 : i32
        %get3A_375 = arith.index_cast %get3A_374 : i32 to index
        %get3A_376 = arith.index_cast %add3A_367 : i32 to index
        %get3A_377 = arith.constant 0 : index
        %get3A_378 = tpu.vector_load %arg9[%get3A_375, %get3A_376, %get3A_377] {strides = array<i32>} : memref<2x128x64xf32, #tpu.memory_space<vmem>>, vector<1x1x16xf32>,
        %get3A_379 = vector.shape_cast %get3A_378 : vector<1x1x16xf32> to vector<16xf32>
        %add3A_380 = arith.addf %get3A_373, %get3A_379 : vector<16xf32>
        %swap3A_381 = arith.constant 0 : i32
        %swap3A_382 = arith.index_cast %swap3A_381 : i32 to index
        %swap3A_383 = arith.index_cast %add3A_367 : i32 to index
        %swap3A_384 = arith.constant 0 : index
        %swap3A_385 = tpu.vector_load %arg8[%swap3A_382, %swap3A_383, %swap3A_384] {strides = array<i32>} : memref<2x128x64xf32, #tpu.memory_space<vmem>>, vector<1x1x16xf32>,
        %swap3A_386 = vector.shape_cast %swap3A_385 : vector<1x1x16xf32> to vector<16xf32>
        %swap3A_387 = vector.shape_cast %add3A_380 : vector<16xf32> to vector<1x1x16xf32>
        tpu.vector_store %arg8[%swap3A_382, %swap3A_383, %swap3A_384], %swap3A_387 {strides = array<i32>} : memref<2x128x64xf32, #tpu.memory_space<vmem>>, vector<1x1x16xf32>,
        %get3A_388 = arith.constant 0 : i32
        %get3A_389 = arith.index_cast %get3A_388 : i32 to index
        %get3A_390 = arith.index_cast %add3A_367 : i32 to index
        %get3A_391 = arith.constant 16 : index
        %get3A_392 = tpu.vector_load %arg8[%get3A_389, %get3A_390, %get3A_391] {strides = array<i32>} : memref<2x128x64xf32, #tpu.memory_space<vmem>>, vector<1x1x16xf32>,
        %get3A_393 = vector.shape_cast %get3A_392 : vector<1x1x16xf32> to vector<16xf32>
        %get3A_394 = arith.constant 0 : i32
        %get3A_395 = arith.index_cast %get3A_394 : i32 to index
        %get3A_396 = arith.index_cast %add3A_367 : i32 to index
        %get3A_397 = arith.constant 16 : index
        %get3A_398 = tpu.vector_load %arg9[%get3A_395, %get3A_396, %get3A_397] {strides = array<i32>} : memref<2x128x64xf32, #tpu.memory_space<vmem>>, vector<1x1x16xf32>,
        %get3A_399 = vector.shape_cast %get3A_398 : vector<1x1x16xf32> to vector<16xf32>
        %add3A_400 = arith.addf %get3A_393, %get3A_399 : vector<16xf32>
        %swap3A_401 = arith.constant 0 : i32
        %swap3A_402 = arith.index_cast %swap3A_401 : i32 to index
        %swap3A_403 = arith.index_cast %add3A_367 : i32 to index
        %swap3A_404 = arith.constant 16 : index
        %swap3A_405 = tpu.vector_load %arg8[%swap3A_402, %swap3A_403, %swap3A_404] {strides = array<i32>} : memref<2x128x64xf32, #tpu.memory_space<vmem>>, vector<1x1x16xf32>,
        %swap3A_406 = vector.shape_cast %swap3A_405 : vector<1x1x16xf32> to vector<16xf32>
        %swap3A_407 = vector.shape_cast %add3A_400 : vector<16xf32> to vector<1x1x16xf32>
        tpu.vector_store %arg8[%swap3A_402, %swap3A_403, %swap3A_404], %swap3A_407 {strides = array<i32>} : memref<2x128x64xf32, #tpu.memory_space<vmem>>, vector<1x1x16xf32>,
        %get3A_408 = arith.constant 0 : i32
        %get3A_409 = arith.index_cast %get3A_408 : i32 to index
        %get3A_410 = arith.index_cast %add3A_367 : i32 to index
        %get3A_411 = arith.constant 32 : index
        %get3A_412 = tpu.vector_load %arg8[%get3A_409, %get3A_410, %get3A_411] {strides = array<i32>} : memref<2x128x64xf32, #tpu.memory_space<vmem>>, vector<1x1x16xf32>,
        %get3A_413 = vector.shape_cast %get3A_412 : vector<1x1x16xf32> to vector<16xf32>
        %get3A_414 = arith.constant 0 : i32
        %get3A_415 = arith.index_cast %get3A_414 : i32 to index
        %get3A_416 = arith.index_cast %add3A_367 : i32 to index
        %get3A_417 = arith.constant 32 : index
        %get3A_418 = tpu.vector_load %arg9[%get3A_415, %get3A_416, %get3A_417] {strides = array<i32>} : memref<2x128x64xf32, #tpu.memory_space<vmem>>, vector<1x1x16xf32>,
        %get3A_419 = vector.shape_cast %get3A_418 : vector<1x1x16xf32> to vector<16xf32>
        %add3A_420 = arith.addf %get3A_413, %get3A_419 : vector<16xf32>
        %swap3A_421 = arith.constant 0 : i32
        %swap3A_422 = arith.index_cast %swap3A_421 : i32 to index
        %swap3A_423 = arith.index_cast %add3A_367 : i32 to index
        %swap3A_424 = arith.constant 32 : index
        %swap3A_425 = tpu.vector_load %arg8[%swap3A_422, %swap3A_423, %swap3A_424] {strides = array<i32>} : memref<2x128x64xf32, #tpu.memory_space<vmem>>, vector<1x1x16xf32>,
        %swap3A_426 = vector.shape_cast %swap3A_425 : vector<1x1x16xf32> to vector<16xf32>
        %swap3A_427 = vector.shape_cast %add3A_420 : vector<16xf32> to vector<1x1x16xf32>
        tpu.vector_store %arg8[%swap3A_422, %swap3A_423, %swap3A_424], %swap3A_427 {strides = array<i32>} : memref<2x128x64xf32, #tpu.memory_space<vmem>>, vector<1x1x16xf32>,
        %get3A_428 = arith.constant 0 : i32
        %get3A_429 = arith.index_cast %get3A_428 : i32 to index
        %get3A_430 = arith.index_cast %add3A_367 : i32 to index
        %get3A_431 = arith.constant 48 : index
        %get3A_432 = tpu.vector_load %arg8[%get3A_429, %get3A_430, %get3A_431] {strides = array<i32>} : memref<2x128x64xf32, #tpu.memory_space<vmem>>, vector<1x1x16xf32>,
        %get3A_433 = vector.shape_cast %get3A_432 : vector<1x1x16xf32> to vector<16xf32>
        %get3A_434 = arith.constant 0 : i32
        %get3A_435 = arith.index_cast %get3A_434 : i32 to index
        %get3A_436 = arith.index_cast %add3A_367 : i32 to index
        %get3A_437 = arith.constant 48 : index
        %get3A_438 = tpu.vector_load %arg9[%get3A_435, %get3A_436, %get3A_437] {strides = array<i32>} : memref<2x128x64xf32, #tpu.memory_space<vmem>>, vector<1x1x16xf32>,
        %get3A_439 = vector.shape_cast %get3A_438 : vector<1x1x16xf32> to vector<16xf32>
        %add3A_440 = arith.addf %get3A_433, %get3A_439 : vector<16xf32>
        %swap3A_441 = arith.constant 0 : i32
        %swap3A_442 = arith.index_cast %swap3A_441 : i32 to index
        %swap3A_443 = arith.index_cast %add3A_367 : i32 to index
        %swap3A_444 = arith.constant 48 : index
        %swap3A_445 = tpu.vector_load %arg8[%swap3A_442, %swap3A_443, %swap3A_444] {strides = array<i32>} : memref<2x128x64xf32, #tpu.memory_space<vmem>>, vector<1x1x16xf32>,
        %swap3A_446 = vector.shape_cast %swap3A_445 : vector<1x1x16xf32> to vector<16xf32>
        %swap3A_447 = vector.shape_cast %add3A_440 : vector<16xf32> to vector<1x1x16xf32>
        tpu.vector_store %arg8[%swap3A_442, %swap3A_443, %swap3A_444], %swap3A_447 {strides = array<i32>} : memref<2x128x64xf32, #tpu.memory_space<vmem>>, vector<1x1x16xf32>,
      }
      %scan3A_70 = arith.constant 32 : i32
      %mul3A_71 = arith.constant 128 : i32
      %mul3A_72 = arith.muli %add3A_41, %mul3A_71 : i32
      %add3A_73 = arith.addi %mul3A_2, %mul3A_72 : i32
      %run_scoped3A = arith.constant 0 : i32
      "tpu.region"() ({
        %run_scoped3A_113 = tpu.sem_alloc : memref<!tpu.dma_semaphore, #tpu.memory_space<semaphore_mem>>
        %dma_start3A_114 = arith.constant 0 : i32
        %dma_start3A_115 = arith.constant 0 : i32
        %dma_start3A_116 = tpu.memref_slice %arg8[%run_scoped3A, %dma_start3A_114, %dma_start3A_115] : memref<2x128x64xf32, #tpu.memory_space<vmem>> -> memref<1x128x64xf32, #tpu.memory_space<vmem>>
        %dma_start3A_117 = tpu.memref_squeeze %dma_start3A_116 : memref<1x128x64xf32, #tpu.memory_space<vmem>> -> memref<128x64xf32, #tpu.memory_space<vmem>>
        %dma_start3A_118 = arith.constant 0 : i32
        %dma_start3A_119 = tpu.memref_slice %arg5[%add3A_73, %dma_start3A_118] : memref<204800x64xf32, #tpu.memory_space<hbm>> -> memref<128x64xf32, #tpu.memory_space<hbm>>
        %dma_start3A_120 = arith.constant 0 : i32
        %dma_start3A_121 = tpu.memref_slice %arg5[%add3A_73, %dma_start3A_120] : memref<204800x64xf32, #tpu.memory_space<hbm>> -> memref<128x64xf32, #tpu.memory_space<hbm>>
        %dma_start3A_122 = arith.constant 0 : i32
        %dma_start3A_123 = arith.constant 0 : i32
        %dma_start3A_124 = tpu.memref_slice %arg8[%run_scoped3A, %dma_start3A_122, %dma_start3A_123] : memref<2x128x64xf32, #tpu.memory_space<vmem>> -> memref<1x128x64xf32, #tpu.memory_space<vmem>>
        %dma_start3A_125 = tpu.memref_squeeze %dma_start3A_124 : memref<1x128x64xf32, #tpu.memory_space<vmem>> -> memref<128x64xf32, #tpu.memory_space<vmem>>
        tpu.enqueue_dma source(%dma_start3A_125 : memref<128x64xf32, #tpu.memory_space<vmem>>) target(%dma_start3A_121 : memref<128x64xf32, #tpu.memory_space<hbm>>) target_semaphore(%run_scoped3A_113 : memref<!tpu.dma_semaphore, #tpu.memory_space<semaphore_mem>>)
        %dma_wait3A_126 = arith.constant 0 : i32
        %dma_wait3A_127 = arith.constant 0 : i32
        %dma_wait3A_128 = tpu.memref_slice %arg8[%run_scoped3A, %dma_wait3A_126, %dma_wait3A_127] : memref<2x128x64xf32, #tpu.memory_space<vmem>> -> memref<1x128x64xf32, #tpu.memory_space<vmem>>
        %dma_wait3A_129 = tpu.memref_squeeze %dma_wait3A_128 : memref<1x128x64xf32, #tpu.memory_space<vmem>> -> memref<128x64xf32, #tpu.memory_space<vmem>>
        %dma_wait3A_130 = arith.constant 0 : i32
        %dma_wait3A_131 = tpu.memref_slice %arg5[%add3A_73, %dma_wait3A_130] : memref<204800x64xf32, #tpu.memory_space<hbm>> -> memref<128x64xf32, #tpu.memory_space<hbm>>
        %dma_wait3A_132 = arith.constant 0 : i32
        %dma_wait3A_133 = tpu.memref_slice %arg5[%add3A_73, %dma_wait3A_132] : memref<204800x64xf32, #tpu.memory_space<hbm>> -> memref<128x64xf32, #tpu.memory_space<hbm>>
        %dma_wait3A_134 = arith.constant 0 : i32
        %dma_wait3A_135 = arith.constant 0 : i32
        %dma_wait3A_136 = tpu.memref_slice %arg8[%run_scoped3A, %dma_wait3A_134, %dma_wait3A_135] : memref<2x128x64xf32, #tpu.memory_space<vmem>> -> memref<1x128x64xf32, #tpu.memory_space<vmem>>
        %dma_wait3A_137 = tpu.memref_squeeze %dma_wait3A_136 : memref<1x128x64xf32, #tpu.memory_space<vmem>> -> memref<128x64xf32, #tpu.memory_space<vmem>>
        tpu.wait_dma2 semaphore(%run_scoped3A_113 : memref<!tpu.dma_semaphore, #tpu.memory_space<semaphore_mem>>) src(%dma_wait3A_137 : memref<128x64xf32, #tpu.memory_space<vmem>>) dst(%dma_wait3A_133 : memref<128x64xf32, #tpu.memory_space<hbm>>)
        tpu.yield
      }) : () -> ()
      %add3A_74 = arith.constant 1 : i32
      %add3A_75 = arith.addi %mul3A_39, %add3A_74 : i32
      %lt3A_76 = arith.constant 49 : i32
      %lt3A_77 = arith.cmpi slt, %add3A_75, %lt3A_76 : i32
      %convert_element_type3A_78 = arith.extui %lt3A_77 : i1 to i32
      %cond3A_79 = arith.constant 0 : i32
      %cond3A_80 = arith.cmpi ne, %convert_element_type3A_78, %cond3A_79 : i32
      scf.if %cond3A_80 {
        %add3A_113 = arith.constant 1 : i32
        %add3A_114 = arith.addi %add3A_75, %add3A_113 : i32
        %dma_start3A_115 = arith.constant 0 : i32
        %dma_start3A_116 = arith.constant 0 : i32
        %dma_start3A_117 = arith.constant 0 : i32
        %dma_start3A_118 = tpu.memref_slice %arg8[%dma_start3A_115, %dma_start3A_116, %dma_start3A_117] : memref<2x128x64xf32, #tpu.memory_space<vmem>> -> memref<1x128x64xf32, #tpu.memory_space<vmem>>
        %dma_start3A_119 = tpu.memref_squeeze %dma_start3A_118 : memref<1x128x64xf32, #tpu.memory_space<vmem>> -> memref<128x64xf32, #tpu.memory_space<vmem>>
        %dma_start3A_120 = arith.constant 0 : i32
        %dma_start3A_121 = tpu.memref_slice %arg6[%add3A_114, %dma_start3A_120] : memref<50x128xi32, #tpu.memory_space<vmem>> -> memref<1x128xi32, #tpu.memory_space<vmem>>
        %dma_start3A_122 = tpu.memref_squeeze %dma_start3A_121 : memref<1x128xi32, #tpu.memory_space<vmem>> -> memref<128xi32, #tpu.memory_space<vmem>>
        %dma_start3A_123 = arith.constant 0 : i32
        %dma_start3A_124 = arith.constant 0 : i32
        %dma_start3A_125 = tpu.memref_slice %arg3[%dma_start3A_123, %dma_start3A_124] : memref<432000x64xf32, #tpu.memory_space<hbm>> -> memref<432000x64xf32, #tpu.memory_space<hbm>>
        tpu.enqueue_indirect_dma source(%dma_start3A_125 : memref<432000x64xf32, #tpu.memory_space<hbm>>) target(%dma_start3A_119 : memref<128x64xf32, #tpu.memory_space<vmem>>) offsets(%dma_start3A_122 : memref<128xi32, #tpu.memory_space<vmem>>) semaphore(%arg10 : memref<!tpu.dma_semaphore, #tpu.memory_space<semaphore_mem>>)
        %dma_start3A_126 = arith.constant 0 : i32
        %dma_start3A_127 = arith.constant 0 : i32
        %dma_start3A_128 = arith.constant 0 : i32
        %dma_start3A_129 = tpu.memref_slice %arg9[%dma_start3A_126, %dma_start3A_127, %dma_start3A_128] : memref<2x128x64xf32, #tpu.memory_space<vmem>> -> memref<1x128x64xf32, #tpu.memory_space<vmem>>
        %dma_start3A_130 = tpu.memref_squeeze %dma_start3A_129 : memref<1x128x64xf32, #tpu.memory_space<vmem>> -> memref<128x64xf32, #tpu.memory_space<vmem>>
        %dma_start3A_131 = arith.constant 0 : i32
        %dma_start3A_132 = tpu.memref_slice %arg7[%add3A_114, %dma_start3A_131] : memref<50x128xi32, #tpu.memory_space<vmem>> -> memref<1x128xi32, #tpu.memory_space<vmem>>
        %dma_start3A_133 = tpu.memref_squeeze %dma_start3A_132 : memref<1x128xi32, #tpu.memory_space<vmem>> -> memref<128xi32, #tpu.memory_space<vmem>>
        %dma_start3A_134 = arith.constant 0 : i32
        %dma_start3A_135 = arith.constant 0 : i32
        %dma_start3A_136 = tpu.memref_slice %arg4[%dma_start3A_134, %dma_start3A_135] : memref<7200x64xf32, #tpu.memory_space<hbm>> -> memref<7200x64xf32, #tpu.memory_space<hbm>>
        tpu.enqueue_indirect_dma source(%dma_start3A_136 : memref<7200x64xf32, #tpu.memory_space<hbm>>) target(%dma_start3A_130 : memref<128x64xf32, #tpu.memory_space<vmem>>) offsets(%dma_start3A_133 : memref<128xi32, #tpu.memory_space<vmem>>) semaphore(%arg10 : memref<!tpu.dma_semaphore, #tpu.memory_space<semaphore_mem>>)
      } else {
      }
      %dma_wait3A_81 = arith.constant 1 : i32
      %dma_wait3A_82 = arith.constant 0 : i32
      %dma_wait3A_83 = arith.constant 0 : i32
      %dma_wait3A_84 = tpu.memref_slice %arg8[%dma_wait3A_81, %dma_wait3A_82, %dma_wait3A_83] : memref<2x128x64xf32, #tpu.memory_space<vmem>> -> memref<1x128x64xf32, #tpu.memory_space<vmem>>
      %dma_wait3A_85 = tpu.memref_squeeze %dma_wait3A_84 : memref<1x128x64xf32, #tpu.memory_space<vmem>> -> memref<128x64xf32, #tpu.memory_space<vmem>>
      %dma_wait3A_86 = arith.constant 0 : i32
      %dma_wait3A_87 = tpu.memref_slice %arg6[%add3A_75, %dma_wait3A_86] : memref<50x128xi32, #tpu.memory_space<vmem>> -> memref<1x128xi32, #tpu.memory_space<vmem>>
      %dma_wait3A_88 = tpu.memref_squeeze %dma_wait3A_87 : memref<1x128xi32, #tpu.memory_space<vmem>> -> memref<128xi32, #tpu.memory_space<vmem>>
      %dma_wait3A_89 = arith.constant 0 : i32
      %dma_wait3A_90 = arith.constant 0 : i32
      %dma_wait3A_91 = tpu.memref_slice %arg3[%dma_wait3A_89, %dma_wait3A_90] : memref<432000x64xf32, #tpu.memory_space<hbm>> -> memref<432000x64xf32, #tpu.memory_space<hbm>>
      tpu.wait_indirect_dma semaphore(%arg11 : memref<!tpu.dma_semaphore, #tpu.memory_space<semaphore_mem>>) src(%dma_wait3A_91 : memref<432000x64xf32, #tpu.memory_space<hbm>>) dst(%dma_wait3A_85 : memref<128x64xf32, #tpu.memory_space<vmem>>)
      %dma_wait3A_92 = arith.constant 1 : i32
      %dma_wait3A_93 = arith.constant 0 : i32
      %dma_wait3A_94 = arith.constant 0 : i32
      %dma_wait3A_95 = tpu.memref_slice %arg9[%dma_wait3A_92, %dma_wait3A_93, %dma_wait3A_94] : memref<2x128x64xf32, #tpu.memory_space<vmem>> -> memref<1x128x64xf32, #tpu.memory_space<vmem>>
      %dma_wait3A_96 = tpu.memref_squeeze %dma_wait3A_95 : memref<1x128x64xf32, #tpu.memory_space<vmem>> -> memref<128x64xf32, #tpu.memory_space<vmem>>
      %dma_wait3A_97 = arith.constant 0 : i32
      %dma_wait3A_98 = tpu.memref_slice %arg7[%add3A_75, %dma_wait3A_97] : memref<50x128xi32, #tpu.memory_space<vmem>> -> memref<1x128xi32, #tpu.memory_space<vmem>>
      %dma_wait3A_99 = tpu.memref_squeeze %dma_wait3A_98 : memref<1x128xi32, #tpu.memory_space<vmem>> -> memref<128xi32, #tpu.memory_space<vmem>>
      %dma_wait3A_100 = arith.constant 0 : i32
      %dma_wait3A_101 = arith.constant 0 : i32
      %dma_wait3A_102 = tpu.memref_slice %arg4[%dma_wait3A_100, %dma_wait3A_101] : memref<7200x64xf32, #tpu.memory_space<hbm>> -> memref<7200x64xf32, #tpu.memory_space<hbm>>
      tpu.wait_indirect_dma semaphore(%arg11 : memref<!tpu.dma_semaphore, #tpu.memory_space<semaphore_mem>>) src(%dma_wait3A_102 : memref<7200x64xf32, #tpu.memory_space<hbm>>) dst(%dma_wait3A_96 : memref<128x64xf32, #tpu.memory_space<vmem>>)
      %scan3A_103 = arith.constant 0 : i32
      %scan3A_104 = arith.constant 0 : i32
      %scan3A_105 = arith.constant 32 : i32
      %scan3A_106 = arith.addi %scan3A_104, %scan3A_105 : i32
      %scan3A_107 = arith.constant 1 : i32
      scf.for %scan3A_113 = %scan3A_104 to %scan3A_106 step %scan3A_107  : i32 {
        %mul3A_114 = arith.constant 4 : i32
        %mul3A_115 = arith.muli %scan3A_113, %mul3A_114 : i32
        %add3A_116 = arith.constant 0 : i32
        %add3A_117 = arith.addi %mul3A_115, %add3A_116 : i32
        %get3A = arith.constant 1 : i32
        %get3A_118 = arith.index_cast %get3A : i32 to index
        %get3A_119 = arith.index_cast %add3A_117 : i32 to index
        %get3A_120 = arith.constant 0 : index
        %get3A_121 = tpu.vector_load %arg8[%get3A_118, %get3A_119, %get3A_120] {strides = array<i32>} : memref<2x128x64xf32, #tpu.memory_space<vmem>>, vector<1x1x16xf32>,
        %get3A_122 = vector.shape_cast %get3A_121 : vector<1x1x16xf32> to vector<16xf32>
        %get3A_123 = arith.constant 1 : i32
        %get3A_124 = arith.index_cast %get3A_123 : i32 to index
        %get3A_125 = arith.index_cast %add3A_117 : i32 to index
        %get3A_126 = arith.constant 0 : index
        %get3A_127 = tpu.vector_load %arg9[%get3A_124, %get3A_125, %get3A_126] {strides = array<i32>} : memref<2x128x64xf32, #tpu.memory_space<vmem>>, vector<1x1x16xf32>,
        %get3A_128 = vector.shape_cast %get3A_127 : vector<1x1x16xf32> to vector<16xf32>
        %add3A_129 = arith.addf %get3A_122, %get3A_128 : vector<16xf32>
        %swap3A = arith.constant 1 : i32
        %swap3A_130 = arith.index_cast %swap3A : i32 to index
        %swap3A_131 = arith.index_cast %add3A_117 : i32 to index
        %swap3A_132 = arith.constant 0 : index
        %swap3A_133 = tpu.vector_load %arg8[%swap3A_130, %swap3A_131, %swap3A_132] {strides = array<i32>} : memref<2x128x64xf32, #tpu.memory_space<vmem>>, vector<1x1x16xf32>,
        %swap3A_134 = vector.shape_cast %swap3A_133 : vector<1x1x16xf32> to vector<16xf32>
        %swap3A_135 = vector.shape_cast %add3A_129 : vector<16xf32> to vector<1x1x16xf32>
        tpu.vector_store %arg8[%swap3A_130, %swap3A_131, %swap3A_132], %swap3A_135 {strides = array<i32>} : memref<2x128x64xf32, #tpu.memory_space<vmem>>, vector<1x1x16xf32>,
        %get3A_136 = arith.constant 1 : i32
        %get3A_137 = arith.index_cast %get3A_136 : i32 to index
        %get3A_138 = arith.index_cast %add3A_117 : i32 to index
        %get3A_139 = arith.constant 16 : index
        %get3A_140 = tpu.vector_load %arg8[%get3A_137, %get3A_138, %get3A_139] {strides = array<i32>} : memref<2x128x64xf32, #tpu.memory_space<vmem>>, vector<1x1x16xf32>,
        %get3A_141 = vector.shape_cast %get3A_140 : vector<1x1x16xf32> to vector<16xf32>
        %get3A_142 = arith.constant 1 : i32
        %get3A_143 = arith.index_cast %get3A_142 : i32 to index
        %get3A_144 = arith.index_cast %add3A_117 : i32 to index
        %get3A_145 = arith.constant 16 : index
        %get3A_146 = tpu.vector_load %arg9[%get3A_143, %get3A_144, %get3A_145] {strides = array<i32>} : memref<2x128x64xf32, #tpu.memory_space<vmem>>, vector<1x1x16xf32>,
        %get3A_147 = vector.shape_cast %get3A_146 : vector<1x1x16xf32> to vector<16xf32>
        %add3A_148 = arith.addf %get3A_141, %get3A_147 : vector<16xf32>
        %swap3A_149 = arith.constant 1 : i32
        %swap3A_150 = arith.index_cast %swap3A_149 : i32 to index
        %swap3A_151 = arith.index_cast %add3A_117 : i32 to index
        %swap3A_152 = arith.constant 16 : index
        %swap3A_153 = tpu.vector_load %arg8[%swap3A_150, %swap3A_151, %swap3A_152] {strides = array<i32>} : memref<2x128x64xf32, #tpu.memory_space<vmem>>, vector<1x1x16xf32>,
        %swap3A_154 = vector.shape_cast %swap3A_153 : vector<1x1x16xf32> to vector<16xf32>
        %swap3A_155 = vector.shape_cast %add3A_148 : vector<16xf32> to vector<1x1x16xf32>
        tpu.vector_store %arg8[%swap3A_150, %swap3A_151, %swap3A_152], %swap3A_155 {strides = array<i32>} : memref<2x128x64xf32, #tpu.memory_space<vmem>>, vector<1x1x16xf32>,
        %get3A_156 = arith.constant 1 : i32
        %get3A_157 = arith.index_cast %get3A_156 : i32 to index
        %get3A_158 = arith.index_cast %add3A_117 : i32 to index
        %get3A_159 = arith.constant 32 : index
        %get3A_160 = tpu.vector_load %arg8[%get3A_157, %get3A_158, %get3A_159] {strides = array<i32>} : memref<2x128x64xf32, #tpu.memory_space<vmem>>, vector<1x1x16xf32>,
        %get3A_161 = vector.shape_cast %get3A_160 : vector<1x1x16xf32> to vector<16xf32>
        %get3A_162 = arith.constant 1 : i32
        %get3A_163 = arith.index_cast %get3A_162 : i32 to index
        %get3A_164 = arith.index_cast %add3A_117 : i32 to index
        %get3A_165 = arith.constant 32 : index
        %get3A_166 = tpu.vector_load %arg9[%get3A_163, %get3A_164, %get3A_165] {strides = array<i32>} : memref<2x128x64xf32, #tpu.memory_space<vmem>>, vector<1x1x16xf32>,
        %get3A_167 = vector.shape_cast %get3A_166 : vector<1x1x16xf32> to vector<16xf32>
        %add3A_168 = arith.addf %get3A_161, %get3A_167 : vector<16xf32>
        %swap3A_169 = arith.constant 1 : i32
        %swap3A_170 = arith.index_cast %swap3A_169 : i32 to index
        %swap3A_171 = arith.index_cast %add3A_117 : i32 to index
        %swap3A_172 = arith.constant 32 : index
        %swap3A_173 = tpu.vector_load %arg8[%swap3A_170, %swap3A_171, %swap3A_172] {strides = array<i32>} : memref<2x128x64xf32, #tpu.memory_space<vmem>>, vector<1x1x16xf32>,
        %swap3A_174 = vector.shape_cast %swap3A_173 : vector<1x1x16xf32> to vector<16xf32>
        %swap3A_175 = vector.shape_cast %add3A_168 : vector<16xf32> to vector<1x1x16xf32>
        tpu.vector_store %arg8[%swap3A_170, %swap3A_171, %swap3A_172], %swap3A_175 {strides = array<i32>} : memref<2x128x64xf32, #tpu.memory_space<vmem>>, vector<1x1x16xf32>,
        %get3A_176 = arith.constant 1 : i32
        %get3A_177 = arith.index_cast %get3A_176 : i32 to index
        %get3A_178 = arith.index_cast %add3A_117 : i32 to index
        %get3A_179 = arith.constant 48 : index
        %get3A_180 = tpu.vector_load %arg8[%get3A_177, %get3A_178, %get3A_179] {strides = array<i32>} : memref<2x128x64xf32, #tpu.memory_space<vmem>>, vector<1x1x16xf32>,
        %get3A_181 = vector.shape_cast %get3A_180 : vector<1x1x16xf32> to vector<16xf32>
        %get3A_182 = arith.constant 1 : i32
        %get3A_183 = arith.index_cast %get3A_182 : i32 to index
        %get3A_184 = arith.index_cast %add3A_117 : i32 to index
        %get3A_185 = arith.constant 48 : index
        %get3A_186 = tpu.vector_load %arg9[%get3A_183, %get3A_184, %get3A_185] {strides = array<i32>} : memref<2x128x64xf32, #tpu.memory_space<vmem>>, vector<1x1x16xf32>,
        %get3A_187 = vector.shape_cast %get3A_186 : vector<1x1x16xf32> to vector<16xf32>
        %add3A_188 = arith.addf %get3A_181, %get3A_187 : vector<16xf32>
        %swap3A_189 = arith.constant 1 : i32
        %swap3A_190 = arith.index_cast %swap3A_189 : i32 to index
        %swap3A_191 = arith.index_cast %add3A_117 : i32 to index
        %swap3A_192 = arith.constant 48 : index
        %swap3A_193 = tpu.vector_load %arg8[%swap3A_190, %swap3A_191, %swap3A_192] {strides = array<i32>} : memref<2x128x64xf32, #tpu.memory_space<vmem>>, vector<1x1x16xf32>,
        %swap3A_194 = vector.shape_cast %swap3A_193 : vector<1x1x16xf32> to vector<16xf32>
        %swap3A_195 = vector.shape_cast %add3A_188 : vector<16xf32> to vector<1x1x16xf32>
        tpu.vector_store %arg8[%swap3A_190, %swap3A_191, %swap3A_192], %swap3A_195 {strides = array<i32>} : memref<2x128x64xf32, #tpu.memory_space<vmem>>, vector<1x1x16xf32>,
        %mul3A_196 = arith.constant 4 : i32
        %mul3A_197 = arith.muli %scan3A_113, %mul3A_196 : i32
        %add3A_198 = arith.constant 1 : i32
        %add3A_199 = arith.addi %mul3A_197, %add3A_198 : i32
        %get3A_200 = arith.constant 1 : i32
        %get3A_201 = arith.index_cast %get3A_200 : i32 to index
        %get3A_202 = arith.index_cast %add3A_199 : i32 to index
        %get3A_203 = arith.constant 0 : index
        %get3A_204 = tpu.vector_load %arg8[%get3A_201, %get3A_202, %get3A_203] {strides = array<i32>} : memref<2x128x64xf32, #tpu.memory_space<vmem>>, vector<1x1x16xf32>,
        %get3A_205 = vector.shape_cast %get3A_204 : vector<1x1x16xf32> to vector<16xf32>
        %get3A_206 = arith.constant 1 : i32
        %get3A_207 = arith.index_cast %get3A_206 : i32 to index
        %get3A_208 = arith.index_cast %add3A_199 : i32 to index
        %get3A_209 = arith.constant 0 : index
        %get3A_210 = tpu.vector_load %arg9[%get3A_207, %get3A_208, %get3A_209] {strides = array<i32>} : memref<2x128x64xf32, #tpu.memory_space<vmem>>, vector<1x1x16xf32>,
        %get3A_211 = vector.shape_cast %get3A_210 : vector<1x1x16xf32> to vector<16xf32>
        %add3A_212 = arith.addf %get3A_205, %get3A_211 : vector<16xf32>
        %swap3A_213 = arith.constant 1 : i32
        %swap3A_214 = arith.index_cast %swap3A_213 : i32 to index
        %swap3A_215 = arith.index_cast %add3A_199 : i32 to index
        %swap3A_216 = arith.constant 0 : index
        %swap3A_217 = tpu.vector_load %arg8[%swap3A_214, %swap3A_215, %swap3A_216] {strides = array<i32>} : memref<2x128x64xf32, #tpu.memory_space<vmem>>, vector<1x1x16xf32>,
        %swap3A_218 = vector.shape_cast %swap3A_217 : vector<1x1x16xf32> to vector<16xf32>
        %swap3A_219 = vector.shape_cast %add3A_212 : vector<16xf32> to vector<1x1x16xf32>
        tpu.vector_store %arg8[%swap3A_214, %swap3A_215, %swap3A_216], %swap3A_219 {strides = array<i32>} : memref<2x128x64xf32, #tpu.memory_space<vmem>>, vector<1x1x16xf32>,
        %get3A_220 = arith.constant 1 : i32
        %get3A_221 = arith.index_cast %get3A_220 : i32 to index
        %get3A_222 = arith.index_cast %add3A_199 : i32 to index
        %get3A_223 = arith.constant 16 : index
        %get3A_224 = tpu.vector_load %arg8[%get3A_221, %get3A_222, %get3A_223] {strides = array<i32>} : memref<2x128x64xf32, #tpu.memory_space<vmem>>, vector<1x1x16xf32>,
        %get3A_225 = vector.shape_cast %get3A_224 : vector<1x1x16xf32> to vector<16xf32>
        %get3A_226 = arith.constant 1 : i32
        %get3A_227 = arith.index_cast %get3A_226 : i32 to index
        %get3A_228 = arith.index_cast %add3A_199 : i32 to index
        %get3A_229 = arith.constant 16 : index
        %get3A_230 = tpu.vector_load %arg9[%get3A_227, %get3A_228, %get3A_229] {strides = array<i32>} : memref<2x128x64xf32, #tpu.memory_space<vmem>>, vector<1x1x16xf32>,
        %get3A_231 = vector.shape_cast %get3A_230 : vector<1x1x16xf32> to vector<16xf32>
        %add3A_232 = arith.addf %get3A_225, %get3A_231 : vector<16xf32>
        %swap3A_233 = arith.constant 1 : i32
        %swap3A_234 = arith.index_cast %swap3A_233 : i32 to index
        %swap3A_235 = arith.index_cast %add3A_199 : i32 to index
        %swap3A_236 = arith.constant 16 : index
        %swap3A_237 = tpu.vector_load %arg8[%swap3A_234, %swap3A_235, %swap3A_236] {strides = array<i32>} : memref<2x128x64xf32, #tpu.memory_space<vmem>>, vector<1x1x16xf32>,
        %swap3A_238 = vector.shape_cast %swap3A_237 : vector<1x1x16xf32> to vector<16xf32>
        %swap3A_239 = vector.shape_cast %add3A_232 : vector<16xf32> to vector<1x1x16xf32>
        tpu.vector_store %arg8[%swap3A_234, %swap3A_235, %swap3A_236], %swap3A_239 {strides = array<i32>} : memref<2x128x64xf32, #tpu.memory_space<vmem>>, vector<1x1x16xf32>,
        %get3A_240 = arith.constant 1 : i32
        %get3A_241 = arith.index_cast %get3A_240 : i32 to index
        %get3A_242 = arith.index_cast %add3A_199 : i32 to index
        %get3A_243 = arith.constant 32 : index
        %get3A_244 = tpu.vector_load %arg8[%get3A_241, %get3A_242, %get3A_243] {strides = array<i32>} : memref<2x128x64xf32, #tpu.memory_space<vmem>>, vector<1x1x16xf32>,
        %get3A_245 = vector.shape_cast %get3A_244 : vector<1x1x16xf32> to vector<16xf32>
        %get3A_246 = arith.constant 1 : i32
        %get3A_247 = arith.index_cast %get3A_246 : i32 to index
        %get3A_248 = arith.index_cast %add3A_199 : i32 to index
        %get3A_249 = arith.constant 32 : index
        %get3A_250 = tpu.vector_load %arg9[%get3A_247, %get3A_248, %get3A_249] {strides = array<i32>} : memref<2x128x64xf32, #tpu.memory_space<vmem>>, vector<1x1x16xf32>,
        %get3A_251 = vector.shape_cast %get3A_250 : vector<1x1x16xf32> to vector<16xf32>
        %add3A_252 = arith.addf %get3A_245, %get3A_251 : vector<16xf32>
        %swap3A_253 = arith.constant 1 : i32
        %swap3A_254 = arith.index_cast %swap3A_253 : i32 to index
        %swap3A_255 = arith.index_cast %add3A_199 : i32 to index
        %swap3A_256 = arith.constant 32 : index
        %swap3A_257 = tpu.vector_load %arg8[%swap3A_254, %swap3A_255, %swap3A_256] {strides = array<i32>} : memref<2x128x64xf32, #tpu.memory_space<vmem>>, vector<1x1x16xf32>,
        %swap3A_258 = vector.shape_cast %swap3A_257 : vector<1x1x16xf32> to vector<16xf32>
        %swap3A_259 = vector.shape_cast %add3A_252 : vector<16xf32> to vector<1x1x16xf32>
        tpu.vector_store %arg8[%swap3A_254, %swap3A_255, %swap3A_256], %swap3A_259 {strides = array<i32>} : memref<2x128x64xf32, #tpu.memory_space<vmem>>, vector<1x1x16xf32>,
        %get3A_260 = arith.constant 1 : i32
        %get3A_261 = arith.index_cast %get3A_260 : i32 to index
        %get3A_262 = arith.index_cast %add3A_199 : i32 to index
        %get3A_263 = arith.constant 48 : index
        %get3A_264 = tpu.vector_load %arg8[%get3A_261, %get3A_262, %get3A_263] {strides = array<i32>} : memref<2x128x64xf32, #tpu.memory_space<vmem>>, vector<1x1x16xf32>,
        %get3A_265 = vector.shape_cast %get3A_264 : vector<1x1x16xf32> to vector<16xf32>
        %get3A_266 = arith.constant 1 : i32
        %get3A_267 = arith.index_cast %get3A_266 : i32 to index
        %get3A_268 = arith.index_cast %add3A_199 : i32 to index
        %get3A_269 = arith.constant 48 : index
        %get3A_270 = tpu.vector_load %arg9[%get3A_267, %get3A_268, %get3A_269] {strides = array<i32>} : memref<2x128x64xf32, #tpu.memory_space<vmem>>, vector<1x1x16xf32>,
        %get3A_271 = vector.shape_cast %get3A_270 : vector<1x1x16xf32> to vector<16xf32>
        %add3A_272 = arith.addf %get3A_265, %get3A_271 : vector<16xf32>
        %swap3A_273 = arith.constant 1 : i32
        %swap3A_274 = arith.index_cast %swap3A_273 : i32 to index
        %swap3A_275 = arith.index_cast %add3A_199 : i32 to index
        %swap3A_276 = arith.constant 48 : index
        %swap3A_277 = tpu.vector_load %arg8[%swap3A_274, %swap3A_275, %swap3A_276] {strides = array<i32>} : memref<2x128x64xf32, #tpu.memory_space<vmem>>, vector<1x1x16xf32>,
        %swap3A_278 = vector.shape_cast %swap3A_277 : vector<1x1x16xf32> to vector<16xf32>
        %swap3A_279 = vector.shape_cast %add3A_272 : vector<16xf32> to vector<1x1x16xf32>
        tpu.vector_store %arg8[%swap3A_274, %swap3A_275, %swap3A_276], %swap3A_279 {strides = array<i32>} : memref<2x128x64xf32, #tpu.memory_space<vmem>>, vector<1x1x16xf32>,
        %mul3A_280 = arith.constant 4 : i32
        %mul3A_281 = arith.muli %scan3A_113, %mul3A_280 : i32
        %add3A_282 = arith.constant 2 : i32
        %add3A_283 = arith.addi %mul3A_281, %add3A_282 : i32
        %get3A_284 = arith.constant 1 : i32
        %get3A_285 = arith.index_cast %get3A_284 : i32 to index
        %get3A_286 = arith.index_cast %add3A_283 : i32 to index
        %get3A_287 = arith.constant 0 : index
        %get3A_288 = tpu.vector_load %arg8[%get3A_285, %get3A_286, %get3A_287] {strides = array<i32>} : memref<2x128x64xf32, #tpu.memory_space<vmem>>, vector<1x1x16xf32>,
        %get3A_289 = vector.shape_cast %get3A_288 : vector<1x1x16xf32> to vector<16xf32>
        %get3A_290 = arith.constant 1 : i32
        %get3A_291 = arith.index_cast %get3A_290 : i32 to index
        %get3A_292 = arith.index_cast %add3A_283 : i32 to index
        %get3A_293 = arith.constant 0 : index
        %get3A_294 = tpu.vector_load %arg9[%get3A_291, %get3A_292, %get3A_293] {strides = array<i32>} : memref<2x128x64xf32, #tpu.memory_space<vmem>>, vector<1x1x16xf32>,
        %get3A_295 = vector.shape_cast %get3A_294 : vector<1x1x16xf32> to vector<16xf32>
        %add3A_296 = arith.addf %get3A_289, %get3A_295 : vector<16xf32>
        %swap3A_297 = arith.constant 1 : i32
        %swap3A_298 = arith.index_cast %swap3A_297 : i32 to index
        %swap3A_299 = arith.index_cast %add3A_283 : i32 to index
        %swap3A_300 = arith.constant 0 : index
        %swap3A_301 = tpu.vector_load %arg8[%swap3A_298, %swap3A_299, %swap3A_300] {strides = array<i32>} : memref<2x128x64xf32, #tpu.memory_space<vmem>>, vector<1x1x16xf32>,
        %swap3A_302 = vector.shape_cast %swap3A_301 : vector<1x1x16xf32> to vector<16xf32>
        %swap3A_303 = vector.shape_cast %add3A_296 : vector<16xf32> to vector<1x1x16xf32>
        tpu.vector_store %arg8[%swap3A_298, %swap3A_299, %swap3A_300], %swap3A_303 {strides = array<i32>} : memref<2x128x64xf32, #tpu.memory_space<vmem>>, vector<1x1x16xf32>,
        %get3A_304 = arith.constant 1 : i32
        %get3A_305 = arith.index_cast %get3A_304 : i32 to index
        %get3A_306 = arith.index_cast %add3A_283 : i32 to index
        %get3A_307 = arith.constant 16 : index
        %get3A_308 = tpu.vector_load %arg8[%get3A_305, %get3A_306, %get3A_307] {strides = array<i32>} : memref<2x128x64xf32, #tpu.memory_space<vmem>>, vector<1x1x16xf32>,
        %get3A_309 = vector.shape_cast %get3A_308 : vector<1x1x16xf32> to vector<16xf32>
        %get3A_310 = arith.constant 1 : i32
        %get3A_311 = arith.index_cast %get3A_310 : i32 to index
        %get3A_312 = arith.index_cast %add3A_283 : i32 to index
        %get3A_313 = arith.constant 16 : index
        %get3A_314 = tpu.vector_load %arg9[%get3A_311, %get3A_312, %get3A_313] {strides = array<i32>} : memref<2x128x64xf32, #tpu.memory_space<vmem>>, vector<1x1x16xf32>,
        %get3A_315 = vector.shape_cast %get3A_314 : vector<1x1x16xf32> to vector<16xf32>
        %add3A_316 = arith.addf %get3A_309, %get3A_315 : vector<16xf32>
        %swap3A_317 = arith.constant 1 : i32
        %swap3A_318 = arith.index_cast %swap3A_317 : i32 to index
        %swap3A_319 = arith.index_cast %add3A_283 : i32 to index
        %swap3A_320 = arith.constant 16 : index
        %swap3A_321 = tpu.vector_load %arg8[%swap3A_318, %swap3A_319, %swap3A_320] {strides = array<i32>} : memref<2x128x64xf32, #tpu.memory_space<vmem>>, vector<1x1x16xf32>,
        %swap3A_322 = vector.shape_cast %swap3A_321 : vector<1x1x16xf32> to vector<16xf32>
        %swap3A_323 = vector.shape_cast %add3A_316 : vector<16xf32> to vector<1x1x16xf32>
        tpu.vector_store %arg8[%swap3A_318, %swap3A_319, %swap3A_320], %swap3A_323 {strides = array<i32>} : memref<2x128x64xf32, #tpu.memory_space<vmem>>, vector<1x1x16xf32>,
        %get3A_324 = arith.constant 1 : i32
        %get3A_325 = arith.index_cast %get3A_324 : i32 to index
        %get3A_326 = arith.index_cast %add3A_283 : i32 to index
        %get3A_327 = arith.constant 32 : index
        %get3A_328 = tpu.vector_load %arg8[%get3A_325, %get3A_326, %get3A_327] {strides = array<i32>} : memref<2x128x64xf32, #tpu.memory_space<vmem>>, vector<1x1x16xf32>,
        %get3A_329 = vector.shape_cast %get3A_328 : vector<1x1x16xf32> to vector<16xf32>
        %get3A_330 = arith.constant 1 : i32
        %get3A_331 = arith.index_cast %get3A_330 : i32 to index
        %get3A_332 = arith.index_cast %add3A_283 : i32 to index
        %get3A_333 = arith.constant 32 : index
        %get3A_334 = tpu.vector_load %arg9[%get3A_331, %get3A_332, %get3A_333] {strides = array<i32>} : memref<2x128x64xf32, #tpu.memory_space<vmem>>, vector<1x1x16xf32>,
        %get3A_335 = vector.shape_cast %get3A_334 : vector<1x1x16xf32> to vector<16xf32>
        %add3A_336 = arith.addf %get3A_329, %get3A_335 : vector<16xf32>
        %swap3A_337 = arith.constant 1 : i32
        %swap3A_338 = arith.index_cast %swap3A_337 : i32 to index
        %swap3A_339 = arith.index_cast %add3A_283 : i32 to index
        %swap3A_340 = arith.constant 32 : index
        %swap3A_341 = tpu.vector_load %arg8[%swap3A_338, %swap3A_339, %swap3A_340] {strides = array<i32>} : memref<2x128x64xf32, #tpu.memory_space<vmem>>, vector<1x1x16xf32>,
        %swap3A_342 = vector.shape_cast %swap3A_341 : vector<1x1x16xf32> to vector<16xf32>
        %swap3A_343 = vector.shape_cast %add3A_336 : vector<16xf32> to vector<1x1x16xf32>
        tpu.vector_store %arg8[%swap3A_338, %swap3A_339, %swap3A_340], %swap3A_343 {strides = array<i32>} : memref<2x128x64xf32, #tpu.memory_space<vmem>>, vector<1x1x16xf32>,
        %get3A_344 = arith.constant 1 : i32
        %get3A_345 = arith.index_cast %get3A_344 : i32 to index
        %get3A_346 = arith.index_cast %add3A_283 : i32 to index
        %get3A_347 = arith.constant 48 : index
        %get3A_348 = tpu.vector_load %arg8[%get3A_345, %get3A_346, %get3A_347] {strides = array<i32>} : memref<2x128x64xf32, #tpu.memory_space<vmem>>, vector<1x1x16xf32>,
        %get3A_349 = vector.shape_cast %get3A_348 : vector<1x1x16xf32> to vector<16xf32>
        %get3A_350 = arith.constant 1 : i32
        %get3A_351 = arith.index_cast %get3A_350 : i32 to index
        %get3A_352 = arith.index_cast %add3A_283 : i32 to index
        %get3A_353 = arith.constant 48 : index
        %get3A_354 = tpu.vector_load %arg9[%get3A_351, %get3A_352, %get3A_353] {strides = array<i32>} : memref<2x128x64xf32, #tpu.memory_space<vmem>>, vector<1x1x16xf32>,
        %get3A_355 = vector.shape_cast %get3A_354 : vector<1x1x16xf32> to vector<16xf32>
        %add3A_356 = arith.addf %get3A_349, %get3A_355 : vector<16xf32>
        %swap3A_357 = arith.constant 1 : i32
        %swap3A_358 = arith.index_cast %swap3A_357 : i32 to index
        %swap3A_359 = arith.index_cast %add3A_283 : i32 to index
        %swap3A_360 = arith.constant 48 : index
        %swap3A_361 = tpu.vector_load %arg8[%swap3A_358, %swap3A_359, %swap3A_360] {strides = array<i32>} : memref<2x128x64xf32, #tpu.memory_space<vmem>>, vector<1x1x16xf32>,
        %swap3A_362 = vector.shape_cast %swap3A_361 : vector<1x1x16xf32> to vector<16xf32>
        %swap3A_363 = vector.shape_cast %add3A_356 : vector<16xf32> to vector<1x1x16xf32>
        tpu.vector_store %arg8[%swap3A_358, %swap3A_359, %swap3A_360], %swap3A_363 {strides = array<i32>} : memref<2x128x64xf32, #tpu.memory_space<vmem>>, vector<1x1x16xf32>,
        %mul3A_364 = arith.constant 4 : i32
        %mul3A_365 = arith.muli %scan3A_113, %mul3A_364 : i32
        %add3A_366 = arith.constant 3 : i32
        %add3A_367 = arith.addi %mul3A_365, %add3A_366 : i32
        %get3A_368 = arith.constant 1 : i32
        %get3A_369 = arith.index_cast %get3A_368 : i32 to index
        %get3A_370 = arith.index_cast %add3A_367 : i32 to index
        %get3A_371 = arith.constant 0 : index
        %get3A_372 = tpu.vector_load %arg8[%get3A_369, %get3A_370, %get3A_371] {strides = array<i32>} : memref<2x128x64xf32, #tpu.memory_space<vmem>>, vector<1x1x16xf32>,
        %get3A_373 = vector.shape_cast %get3A_372 : vector<1x1x16xf32> to vector<16xf32>
        %get3A_374 = arith.constant 1 : i32
        %get3A_375 = arith.index_cast %get3A_374 : i32 to index
        %get3A_376 = arith.index_cast %add3A_367 : i32 to index
        %get3A_377 = arith.constant 0 : index
        %get3A_378 = tpu.vector_load %arg9[%get3A_375, %get3A_376, %get3A_377] {strides = array<i32>} : memref<2x128x64xf32, #tpu.memory_space<vmem>>, vector<1x1x16xf32>,
        %get3A_379 = vector.shape_cast %get3A_378 : vector<1x1x16xf32> to vector<16xf32>
        %add3A_380 = arith.addf %get3A_373, %get3A_379 : vector<16xf32>
        %swap3A_381 = arith.constant 1 : i32
        %swap3A_382 = arith.index_cast %swap3A_381 : i32 to index
        %swap3A_383 = arith.index_cast %add3A_367 : i32 to index
        %swap3A_384 = arith.constant 0 : index
        %swap3A_385 = tpu.vector_load %arg8[%swap3A_382, %swap3A_383, %swap3A_384] {strides = array<i32>} : memref<2x128x64xf32, #tpu.memory_space<vmem>>, vector<1x1x16xf32>,
        %swap3A_386 = vector.shape_cast %swap3A_385 : vector<1x1x16xf32> to vector<16xf32>
        %swap3A_387 = vector.shape_cast %add3A_380 : vector<16xf32> to vector<1x1x16xf32>
        tpu.vector_store %arg8[%swap3A_382, %swap3A_383, %swap3A_384], %swap3A_387 {strides = array<i32>} : memref<2x128x64xf32, #tpu.memory_space<vmem>>, vector<1x1x16xf32>,
        %get3A_388 = arith.constant 1 : i32
        %get3A_389 = arith.index_cast %get3A_388 : i32 to index
        %get3A_390 = arith.index_cast %add3A_367 : i32 to index
        %get3A_391 = arith.constant 16 : index
        %get3A_392 = tpu.vector_load %arg8[%get3A_389, %get3A_390, %get3A_391] {strides = array<i32>} : memref<2x128x64xf32, #tpu.memory_space<vmem>>, vector<1x1x16xf32>,
        %get3A_393 = vector.shape_cast %get3A_392 : vector<1x1x16xf32> to vector<16xf32>
        %get3A_394 = arith.constant 1 : i32
        %get3A_395 = arith.index_cast %get3A_394 : i32 to index
        %get3A_396 = arith.index_cast %add3A_367 : i32 to index
        %get3A_397 = arith.constant 16 : index
        %get3A_398 = tpu.vector_load %arg9[%get3A_395, %get3A_396, %get3A_397] {strides = array<i32>} : memref<2x128x64xf32, #tpu.memory_space<vmem>>, vector<1x1x16xf32>,
        %get3A_399 = vector.shape_cast %get3A_398 : vector<1x1x16xf32> to vector<16xf32>
        %add3A_400 = arith.addf %get3A_393, %get3A_399 : vector<16xf32>
        %swap3A_401 = arith.constant 1 : i32
        %swap3A_402 = arith.index_cast %swap3A_401 : i32 to index
        %swap3A_403 = arith.index_cast %add3A_367 : i32 to index
        %swap3A_404 = arith.constant 16 : index
        %swap3A_405 = tpu.vector_load %arg8[%swap3A_402, %swap3A_403, %swap3A_404] {strides = array<i32>} : memref<2x128x64xf32, #tpu.memory_space<vmem>>, vector<1x1x16xf32>,
        %swap3A_406 = vector.shape_cast %swap3A_405 : vector<1x1x16xf32> to vector<16xf32>
        %swap3A_407 = vector.shape_cast %add3A_400 : vector<16xf32> to vector<1x1x16xf32>
        tpu.vector_store %arg8[%swap3A_402, %swap3A_403, %swap3A_404], %swap3A_407 {strides = array<i32>} : memref<2x128x64xf32, #tpu.memory_space<vmem>>, vector<1x1x16xf32>,
        %get3A_408 = arith.constant 1 : i32
        %get3A_409 = arith.index_cast %get3A_408 : i32 to index
        %get3A_410 = arith.index_cast %add3A_367 : i32 to index
        %get3A_411 = arith.constant 32 : index
        %get3A_412 = tpu.vector_load %arg8[%get3A_409, %get3A_410, %get3A_411] {strides = array<i32>} : memref<2x128x64xf32, #tpu.memory_space<vmem>>, vector<1x1x16xf32>,
        %get3A_413 = vector.shape_cast %get3A_412 : vector<1x1x16xf32> to vector<16xf32>
        %get3A_414 = arith.constant 1 : i32
        %get3A_415 = arith.index_cast %get3A_414 : i32 to index
        %get3A_416 = arith.index_cast %add3A_367 : i32 to index
        %get3A_417 = arith.constant 32 : index
        %get3A_418 = tpu.vector_load %arg9[%get3A_415, %get3A_416, %get3A_417] {strides = array<i32>} : memref<2x128x64xf32, #tpu.memory_space<vmem>>, vector<1x1x16xf32>,
        %get3A_419 = vector.shape_cast %get3A_418 : vector<1x1x16xf32> to vector<16xf32>
        %add3A_420 = arith.addf %get3A_413, %get3A_419 : vector<16xf32>
        %swap3A_421 = arith.constant 1 : i32
        %swap3A_422 = arith.index_cast %swap3A_421 : i32 to index
        %swap3A_423 = arith.index_cast %add3A_367 : i32 to index
        %swap3A_424 = arith.constant 32 : index
        %swap3A_425 = tpu.vector_load %arg8[%swap3A_422, %swap3A_423, %swap3A_424] {strides = array<i32>} : memref<2x128x64xf32, #tpu.memory_space<vmem>>, vector<1x1x16xf32>,
        %swap3A_426 = vector.shape_cast %swap3A_425 : vector<1x1x16xf32> to vector<16xf32>
        %swap3A_427 = vector.shape_cast %add3A_420 : vector<16xf32> to vector<1x1x16xf32>
        tpu.vector_store %arg8[%swap3A_422, %swap3A_423, %swap3A_424], %swap3A_427 {strides = array<i32>} : memref<2x128x64xf32, #tpu.memory_space<vmem>>, vector<1x1x16xf32>,
        %get3A_428 = arith.constant 1 : i32
        %get3A_429 = arith.index_cast %get3A_428 : i32 to index
        %get3A_430 = arith.index_cast %add3A_367 : i32 to index
        %get3A_431 = arith.constant 48 : index
        %get3A_432 = tpu.vector_load %arg8[%get3A_429, %get3A_430, %get3A_431] {strides = array<i32>} : memref<2x128x64xf32, #tpu.memory_space<vmem>>, vector<1x1x16xf32>,
        %get3A_433 = vector.shape_cast %get3A_432 : vector<1x1x16xf32> to vector<16xf32>
        %get3A_434 = arith.constant 1 : i32
        %get3A_435 = arith.index_cast %get3A_434 : i32 to index
        %get3A_436 = arith.index_cast %add3A_367 : i32 to index
        %get3A_437 = arith.constant 48 : index
        %get3A_438 = tpu.vector_load %arg9[%get3A_435, %get3A_436, %get3A_437] {strides = array<i32>} : memref<2x128x64xf32, #tpu.memory_space<vmem>>, vector<1x1x16xf32>,
        %get3A_439 = vector.shape_cast %get3A_438 : vector<1x1x16xf32> to vector<16xf32>
        %add3A_440 = arith.addf %get3A_433, %get3A_439 : vector<16xf32>
        %swap3A_441 = arith.constant 1 : i32
        %swap3A_442 = arith.index_cast %swap3A_441 : i32 to index
        %swap3A_443 = arith.index_cast %add3A_367 : i32 to index
        %swap3A_444 = arith.constant 48 : index
        %swap3A_445 = tpu.vector_load %arg8[%swap3A_442, %swap3A_443, %swap3A_444] {strides = array<i32>} : memref<2x128x64xf32, #tpu.memory_space<vmem>>, vector<1x1x16xf32>,
        %swap3A_446 = vector.shape_cast %swap3A_445 : vector<1x1x16xf32> to vector<16xf32>
        %swap3A_447 = vector.shape_cast %add3A_440 : vector<16xf32> to vector<1x1x16xf32>
        tpu.vector_store %arg8[%swap3A_442, %swap3A_443, %swap3A_444], %swap3A_447 {strides = array<i32>} : memref<2x128x64xf32, #tpu.memory_space<vmem>>, vector<1x1x16xf32>,
      }
      %scan3A_108 = arith.constant 32 : i32
      %mul3A_109 = arith.constant 128 : i32
      %mul3A_110 = arith.muli %add3A_75, %mul3A_109 : i32
      %add3A_111 = arith.addi %mul3A_2, %mul3A_110 : i32
      %run_scoped3A_112 = arith.constant 1 : i32
      "tpu.region"() ({
        %run_scoped3A_113 = tpu.sem_alloc : memref<!tpu.dma_semaphore, #tpu.memory_space<semaphore_mem>>
        %dma_start3A_114 = arith.constant 0 : i32
        %dma_start3A_115 = arith.constant 0 : i32
        %dma_start3A_116 = tpu.memref_slice %arg8[%run_scoped3A_112, %dma_start3A_114, %dma_start3A_115] : memref<2x128x64xf32, #tpu.memory_space<vmem>> -> memref<1x128x64xf32, #tpu.memory_space<vmem>>
        %dma_start3A_117 = tpu.memref_squeeze %dma_start3A_116 : memref<1x128x64xf32, #tpu.memory_space<vmem>> -> memref<128x64xf32, #tpu.memory_space<vmem>>
        %dma_start3A_118 = arith.constant 0 : i32
        %dma_start3A_119 = tpu.memref_slice %arg5[%add3A_111, %dma_start3A_118] : memref<204800x64xf32, #tpu.memory_space<hbm>> -> memref<128x64xf32, #tpu.memory_space<hbm>>
        %dma_start3A_120 = arith.constant 0 : i32
        %dma_start3A_121 = tpu.memref_slice %arg5[%add3A_111, %dma_start3A_120] : memref<204800x64xf32, #tpu.memory_space<hbm>> -> memref<128x64xf32, #tpu.memory_space<hbm>>
        %dma_start3A_122 = arith.constant 0 : i32
        %dma_start3A_123 = arith.constant 0 : i32
        %dma_start3A_124 = tpu.memref_slice %arg8[%run_scoped3A_112, %dma_start3A_122, %dma_start3A_123] : memref<2x128x64xf32, #tpu.memory_space<vmem>> -> memref<1x128x64xf32, #tpu.memory_space<vmem>>
        %dma_start3A_125 = tpu.memref_squeeze %dma_start3A_124 : memref<1x128x64xf32, #tpu.memory_space<vmem>> -> memref<128x64xf32, #tpu.memory_space<vmem>>
        tpu.enqueue_dma source(%dma_start3A_125 : memref<128x64xf32, #tpu.memory_space<vmem>>) target(%dma_start3A_121 : memref<128x64xf32, #tpu.memory_space<hbm>>) target_semaphore(%run_scoped3A_113 : memref<!tpu.dma_semaphore, #tpu.memory_space<semaphore_mem>>)
        %dma_wait3A_126 = arith.constant 0 : i32
        %dma_wait3A_127 = arith.constant 0 : i32
        %dma_wait3A_128 = tpu.memref_slice %arg8[%run_scoped3A_112, %dma_wait3A_126, %dma_wait3A_127] : memref<2x128x64xf32, #tpu.memory_space<vmem>> -> memref<1x128x64xf32, #tpu.memory_space<vmem>>
        %dma_wait3A_129 = tpu.memref_squeeze %dma_wait3A_128 : memref<1x128x64xf32, #tpu.memory_space<vmem>> -> memref<128x64xf32, #tpu.memory_space<vmem>>
        %dma_wait3A_130 = arith.constant 0 : i32
        %dma_wait3A_131 = tpu.memref_slice %arg5[%add3A_111, %dma_wait3A_130] : memref<204800x64xf32, #tpu.memory_space<hbm>> -> memref<128x64xf32, #tpu.memory_space<hbm>>
        %dma_wait3A_132 = arith.constant 0 : i32
        %dma_wait3A_133 = tpu.memref_slice %arg5[%add3A_111, %dma_wait3A_132] : memref<204800x64xf32, #tpu.memory_space<hbm>> -> memref<128x64xf32, #tpu.memory_space<hbm>>
        %dma_wait3A_134 = arith.constant 0 : i32
        %dma_wait3A_135 = arith.constant 0 : i32
        %dma_wait3A_136 = tpu.memref_slice %arg8[%run_scoped3A_112, %dma_wait3A_134, %dma_wait3A_135] : memref<2x128x64xf32, #tpu.memory_space<vmem>> -> memref<1x128x64xf32, #tpu.memory_space<vmem>>
        %dma_wait3A_137 = tpu.memref_squeeze %dma_wait3A_136 : memref<1x128x64xf32, #tpu.memory_space<vmem>> -> memref<128x64xf32, #tpu.memory_space<vmem>>
        tpu.wait_dma2 semaphore(%run_scoped3A_113 : memref<!tpu.dma_semaphore, #tpu.memory_space<semaphore_mem>>) src(%dma_wait3A_137 : memref<128x64xf32, #tpu.memory_space<vmem>>) dst(%dma_wait3A_133 : memref<128x64xf32, #tpu.memory_space<hbm>>)
        tpu.yield
      }) : () -> ()
    }
    %scan3A_36 = arith.constant 25 : i32
    return
  }
}

</mosaic_0001>

<sc_bundles>
// kernel: kernel.3.cloned.1.call-start
scs
__scs_entry_jumppad:
0x0: {  	(pc) =	sbr.rel $0x88, $3  }
0x1: {  	(tag) =	ssettag $0x0;
	lr =	simm.s32 $0x1  }
0x2: {  	[smem:$0x3F9C] =	sst lr;
	_ =	strace $0xD0000000  }
0x3: {  	_ = 	snop  }
0x4: {  	_ = 	snop  }
0x5: {  	_ = 	snop  }
0x6: {  	_ = 	snop  }
0x7: {  	_ = 	snop  }
__scs_overlays_trampoline_lowered:
0x8: {  	[smem:$0x3FAB] =	sst s0  }
0x9: {  	[smem:$0x3FAC] =	sst s1  }
0xa: {  	[smem:$0x3FAD] =	sst s2  }
0xb: {  	[smem:$0x3FAE] =	sst s3  }
0xc: {  	[smem:$0x3FAF] =	sst s4  }
0xd: {  	[smem:$0x3FB0] =	sst s5  }
0xe: {  	[smem:$0x3FB1] =	sst s6  }
0xf: {  	[smem:$0x3FB2] =	sst s7  }
0x10: {  	[smem:$0x3FB3] =	sst s8  }
0x11: {  	[smem:$0x3FB4] =	sst s9;
	s0 =	simm.s32 @!p0 $0x0  }
0x12: {  	s1 =	sld [smem:$0x3F9A];
	s0 =	simm.s32 @p0 $0x1  }
0x13: {  	[smem:$0x3FB5] =	sst s0;
	s0 =	simm.s32 @!p1 $0x0  }
0x14: {  	s2 =	sld [smem:$0x3F99];
	s0 =	simm.s32 @p1 $0x1  }
0x15: {  	[smem:$0x3FB6] =	sst s0;
	s0 =	simm.s32 @!p2 $0x0  }
0x16: {  	s3 =	sld [smem:$0x3FDB];
	s0 =	simm.s32 @p2 $0x1  }
0x17: {  	s4 =	simm.s32 $0x1BF5;
	[smem:$0x3FB8] =	sst s0  }
0x18: {  	s0 =	sld [smem:$0x3F9B];
	_ =	swait.ge [sflag:s4], $0x0  }
0x19: {  	s7 =	sld [smem:$0x3F9C]  }
0x1a: {  	s8 =	sadd.s32 $0xFFFFE003, lr  }
0x1b: {  	s9 =	sadd.s32 $0xFFFFFEF7, lr;
	s5 =	simm.s32 $0xFFFFFFFF;
	p2 =	slt.u32 s8, $0xFFFFF086  }
0x1c: {  	p1 =	slt.u32 s9, $0xF7A;
	s5 =	simm.s32 @!p2 $0x0  }
0x1d: {  	s5 =	simm.s32 @p1 $0x1;
	p0 =	seq.s32 s7, s2  }
0x1e: {  	s7 =	smul.u32 @!p0 $0xF7A, s2;
	p2 =	seq.s32 @!p0 s5, $0x0  }
0x1f: {  	s9 =	smul.u32 $0xF7A, s1;
	s8 =	simm.s32 @!p0 $0x1BF5;
	p2 =	por !p2, p0  }
0x20: {  	[sflag:s8] =	ssyncset.s32 @!p0 $0xFFFFF086;
	s6 =	sadd.s32 @!p0 s3, s7;
	s7 =	simm.s32 @!p0 $0x108  }
0x21: {  	s3 =	sadd.s32 s3, s9;
	s6 =	sadd.s32 @!p0 $0x88, s6;
	s7 =	simm.s32 @p2 $0x1082  }
0x22: {  	[simem:s7], [sflag:s8] =	dma.local @!p0 [hbm:s6], $0xF7A  }
0x23: {  	s9 =	sor.u32 $0xD0000000, s2;
	s6 =	simm.s32 $0x108;
	_ =	swait.ge @!p0 [sflag:s8], $0x0  }
0x24: {  	s3 =	sadd.s32 $0x88, s3;
	s6 =	simm.s32 @!p1 $0x1082;
	[sflag:s4] =	ssyncset.s32 $0xFFFFF086  }
0x25: {  	[simem:s6], [sflag:s4] =	dma.local [hbm:s3], $0xF7A  }
0x26: {  	[smem:$0x3F9C] =	sst s1;
	(tag) =	ssettag s2;
	_ =	strace s9  }
0x27: {  	s1 =	sld [smem:$0x3FAC]  }
0x28: {  	s2 =	sld [smem:$0x3FAD]  }
0x29: {  	s4 =	sld [smem:$0x3FAF]  }
0x2a: {  	p0 =	seq.s32 s5, $0x0;
	s5 =	sld [smem:$0x3FB0]  }
0x2b: {  	s6 =	sld [smem:$0x3FB1]  }
0x2c: {  	s7 =	sld [smem:$0x3FB2]  }
0x2d: {  	s3 =	simm.s32 $0x108;
	s8 =	sld [smem:$0x3FB3]  }
0x2e: {  	s3 =	simm.s32 @!p0 $0x1082;
	s9 =	sld [smem:$0x3FB4]  }
0x2f: {  	lr =	sadd.s32 s0, s3;
	s0 =	sld [smem:$0x3FAB]  }
0x30: {  	s3 =	sld [smem:$0x3FAE]  }
0x31: {  	[smem:$0x3FB7] =	sst s10  }
0x32: {  	s10 =	sld [smem:$0x3FB5];
	_ =	sdelay $0x3  }
0x33: {  	p0 =	seq.s32 s10, $0x1;
	s10 =	sld [smem:$0x3FB7];
	_ =	sdelay $0x3  }
0x34: {  	[smem:$0x3FB7] =	sst s10  }
0x35: {  	s10 =	sld [smem:$0x3FB6];
	_ =	sdelay $0x3  }
0x36: {  	p1 =	seq.s32 s10, $0x1;
	s10 =	sld [smem:$0x3FB7];
	_ =	sdelay $0x3  }
0x37: {  	[smem:$0x3FB7] =	sst s10  }
0x38: {  	s10 =	sld [smem:$0x3FB8]  }
0x39: {  	_ = 	snop;
	(pc) =	sbr.ind lr, $3  }
0x3a: {  	_ = 	snop  }
0x3b: {  	_ = 	snop  }
0x3c: {  	p2 =	seq.s32 s10, $0x1;
	s10 =	sld [smem:$0x3FB7]  }
0x3d: {  	_ =	shalt  }
0x3e: {  	_ =	shalt  }
0x3f: {  	_ =	shalt  }
0x40: {  	_ =	shalt  }
0x41: {  	_ =	shalt  }
0x42: {  	_ =	shalt  }
0x43: {  	_ =	shalt  }
0x44: {  	_ =	shalt  }
0x45: {  	_ =	shalt  }
0x46: {  	_ =	shalt  }
0x47: {  	_ =	shalt  }
0x48: {  	_ =	shalt  }
0x49: {  	_ =	shalt  }
0x4a: {  	_ =	shalt  }
0x4b: {  	_ =	shalt  }
0x4c: {  	_ =	shalt  }
0x4d: {  	_ =	shalt  }
0x4e: {  	_ =	shalt  }
0x4f: {  	_ =	shalt  }
0x50: {  	_ =	shalt  }
0x51: {  	_ =	shalt  }
0x52: {  	_ =	shalt  }
0x53: {  	_ =	shalt  }
0x54: {  	_ =	shalt  }
0x55: {  	_ =	shalt  }
0x56: {  	_ =	shalt  }
0x57: {  	_ =	shalt  }
0x58: {  	_ =	shalt  }
0x59: {  	_ =	shalt  }
0x5a: {  	_ =	shalt  }
0x5b: {  	_ =	shalt  }
0x5c: {  	_ =	shalt  }
0x5d: {  	_ =	shalt  }
0x5e: {  	_ =	shalt  }
0x5f: {  	_ =	shalt  }
0x60: {  	_ =	shalt  }
0x61: {  	_ =	shalt  }
0x62: {  	_ =	shalt  }
0x63: {  	_ =	shalt  }
0x64: {  	_ =	shalt  }
0x65: {  	_ =	shalt  }
0x66: {  	_ =	shalt  }
0x67: {  	_ =	shalt  }
0x68: {  	_ =	shalt  }
0x69: {  	_ =	shalt  }
0x6a: {  	_ =	shalt  }
0x6b: {  	_ =	shalt  }
0x6c: {  	_ =	shalt  }
0x6d: {  	_ =	shalt  }
0x6e: {  	_ =	shalt  }
0x6f: {  	_ =	shalt  }
0x70: {  	_ =	shalt  }
0x71: {  	_ =	shalt  }
0x72: {  	_ =	shalt  }
0x73: {  	_ =	shalt  }
0x74: {  	_ =	shalt  }
0x75: {  	_ =	shalt  }
0x76: {  	_ =	shalt  }
0x77: {  	_ =	shalt  }
0x78: {  	_ =	shalt  }
0x79: {  	_ =	shalt  }
0x7a: {  	_ =	shalt  }
0x7b: {  	_ =	shalt  }
0x7c: {  	_ =	shalt  }
0x7d: {  	_ =	shalt  }
0x7e: {  	_ =	shalt  }
0x7f: {  	_ =	shalt  }
0x80: {  	_ =	shalt  }
0x81: {  	_ =	shalt  }
0x82: {  	_ =	shalt  }
0x83: {  	_ =	shalt  }
0x84: {  	_ =	shalt  }
0x85: {  	_ =	shalt  }
0x86: {  	_ =	shalt  }
0x87: {  	_ =	shalt  }
.Lfunc_end0:
.L_simem_size_0:
called_computation.2_lowered:
.L_overlay_start_0:
0x88: {  	s2 =	sld [smem:$0x3FD9]  }
0x89: {  	s3 =	sld [smem:$0x3FFE];
	_ =	sdelay $0x1  }
0x8a: {  	s1 =	srdreg.scid  }
0x8b: {  	s0 =	sand.u32 $0x1, s1  }
0x8c: {  	s17 =	sshll.u32 s0, $0xA;
	s2 =	sadd.s32 s3, s2  }
0x8d: {  	s2 =	sadd.s32 s2, s17  }
0x8e: {  	[smem:$0x3FC3] =	sst s2  }
0x8f: {  	_ = 	snop  }
0x90: {  	s2 =	sld [smem:$0x3FD0];
	(tm) =	ssettm $0x1  }
0x91: {  	s18 =	sld [smem:$0x3FFB];
	_ =	sdelay $0x3  }
0x92: {  	_ =	strace s18  }
0x93: {  	s3 =	sld [smem:$0x3FFC];
	_ =	sdelay $0x3  }
0x94: {  	_ =	strace s3  }
0x95: {  	s3 =	sld [smem:$0x3FFD];
	_ =	sdelay $0x3  }
0x96: {  	_ =	strace s3  }
0x97: {  	_ =	strace $0x8FFFFFFF  }
0x98: {  	s19 =	sld [smem:$0x3FDB];
	_ =	sdelay $0x1  }
0x99: {  	s4 =	simm.s32 $_scs_section_size  }
0x9a: {  	s5 =	simm.s32 $_size__tile_overlayer_lowered;
	s6 =	simm.s32 $_tile_overlayer_lowered  }
0x9b: {  	s22 =	simm.s32 $0x1BFF;
	s21 =	sshll.u32 s6, $0x1;
	s3 =	sadd.s32 s4, s19  }
0x9c: {  	s7 =	simm.s32 $0x0;
	s20 =	sshll.u32 s5, $0x1;
	s5 =	sadd.s32 s21, s3  }
0x9d: {  	[timem:s7], [sflag:s22] =	dma.local [hbm:s5], s20  }
0x9e: {  	_ =	swait.ge [sflag:s22], s20  }
0x9f: {  	s4 =	ssub.s32 $0x0, s20;
	[sflag:s22] =	ssyncset.done $0x0  }
0xa0: {  	[sflag:s22] =	ssyncadd.s32 s4;
	_ =	sdelay $0x1  }
0xa1: {  	s23 =	simm.s32 $0x1B8B  }
0xa2: {  	_ =	swait.ge [sflag:s23], $0x1  }
0xa3: {  	[sflag:s23] =	ssyncset.done $0x0  }
0xa4: {  	s25 =	simm.s32 $0x1B8E;
	s24 =	sld [smem:$0x3FFE];
	[sflag:s23] =	ssyncadd.s32 $0xFFFFFFFF  }
0xa5: {  	s26 =	simm.s32 $execute0_lowered;
	[smem:$0x3FD2] =	sst s25  }
0xa6: {  	s5 =	sshll.u32 s26, $0x1;
	_ =	strace $0x80000049;
	[dreg:$0x1] =	wrdreg $0xFFFFFFFF  }
0xa7: {  	s28 =	simm.s32 $_size_execute0_lowered;
	s3 =	sadd.s32 s3, s5;
	[dreg:$0x0] =	wrdreg $0x0  }
0xa8: {  	s5 =	sshll.u32 s28, $0x1;
	[dreg:$0x2] =	wrdreg s3  }
0xa9: {  	[dreg:$0x3] =	wrdreg s5  }
0xaa: {  	[dreg:$0x4] =	wrdreg $0xC0  }
0xab: {  	_ =	task [dreg:s7], $0x5FFFF  }
0xac: {  	[dreg:$0x1] =	wrdreg $0xFFFFFFFF  }
0xad: {  	[dreg:$0x0] =	wrdreg $0x60  }
0xae: {  	[dreg:$0x2] =	wrdreg s24  }
0xaf: {  	[dreg:$0x3] =	wrdreg s2  }
0xb0: {  	[dreg:$0x4] =	wrdreg $0x9  }
0xb1: {  	_ =	task.clear_ibuf [dreg:s7], $0x5FFFF;
	_ =	strace $0x90000049  }
0xb2: {  	s29 =	simm.s32 $0x9;
	_ =	strace $0x8000004B  }
0xb3: {  	_ =	swait.ge [sflag:s29], $0x1  }
0xb4: {  	[sflag:s29] =	ssyncadd.s32 $0xFFFFFFFF  }
0xb5: {  	_ =	strace $0x9000004B  }
0xb6: {  	_ =	sfence  }
0xb7: {  	s30 =	sld [smem:$0x0];
	_ =	sdelay $0x2  }
0xb8: {  	s31 =	sshll.u32 s1, $0xD;
	s1 =	sshrl.u32 s1, $0x2  }
0xb9: {  	s3 =	sand.u32 $0x4000, s31;
	s1 =	sadd.s32 s1, s30  }
0xba: {  	s0 =	sor.u32 s3, s0;
	s1 =	sshll.u32 s1, $0x11  }
0xbb: {  	s0 =	sor.u32 s1, s0  }
0xbc: {  	s0 =	sadd.s32 $0x8F2B, s0  }
0xbd: {  	[sflag:s0] =	ssyncadd.remote.s32 $0x1  }
0xbe: {  	_ =	sfence.sel $0xFFFF  }
0xbf: {  	[dreg:$0x0] =	wrdreg $0xFFFFFFFF;
	(pc) =	sbr.abs _section_cstart, $3  }
0xc0: {  	[dreg:$0x1] =	wrdreg $0xFFFFFFFF  }
0xc1: {  	_ =	task.clear_ibuf [dreg:s7], $0x2FFFF;
	_ =	strace $0x9FFFFFFF  }
0xc2: {  	(tm) =	ssettm $0x7FFFFFFF  }
0xc3: {  	_ =	shalt  }
tec
execute0_lowered:
.L_overlay_start_1:
0x0: {  	(tag) =	ssettag $0x1  }
0x1: {  	s5 =	rddreg [dreg:$0x0];
	s1 =	srdreg.scid  }
0x2: {  	s0 =	stileid.u32;
	s2 =	rddreg [dreg:$0x1]  }
0x3: {  	s3 =	simm.s32 $0x0;
	s10 =	simm.s32 $0x80;
	s11 =	simm.s32 $0x3200  }
0x4: {  	s12 =	simm.s32 $0x1900;
	s13 =	simm.s32 $0x7200;
	s14 =	simm.s32 $0x5200  }
0x5: {  	s15 =	simm.s32 $0x9200;
	s16 =	simm.s32 $0x1;
	s17 =	simm.s32 $0x2  }
0x6: {  	s4 =	sand.u32 $0x1, s1;
	s6 =	sshll.u32 s0, $0x1;
	s1 =	rddreg [dreg:$0x2]  }
0x7: {  	s18 =	simm.s32 $0x0;
	[smem:$0x7FF] =	sst s3;
	s7 =	sor.u32 s4, s6  }
0x8: {  	_ =	strace $0x8000004A;
	s8 =	ssub.s32 $0x2, s4;
	s6 =	smul.u32 $0x320, s7  }
0x9: {  	s4 =	sadd.s32 $0x1200, s5;
	s9 =	sshrl.u32 s8, $0x1;
	s7 =	smul.u32 $0x64000, s7  }
0xa: {  	s8 =	ssub.s32 s8, s9;
	s9 =	simm.s32 $0x3;
	s6 =	sadd.s32 s6, s5  }
0xb: {  	s5 =	sadd.s32 $0x9E4600, s5;
	s8 =	smax.u32 s8, $0x1;
	s6 =	sadd.s32 $0x9F2800, s6  }
.LBB2_1:
0xc: {  	[tilespmem:s3], [sflag:$0x3] =	stream.linear.gather [hbm4b:s6+s3], $0x1900, $0x38;
	[tilespmem:$0xB200] =	vst v63  }
0xd: {  	_ =	swait.ge [sflag:s9], $0x1900  }
0xe: {  	[sflag:s9] =	ssyncset.done $0x0  }
0xf: {  	s19 =	simm.s32 $0x0;
	[sflag:s9] =	ssyncadd.s32 $0xFFFFE700  }
0x10: {  	v0 =	vld [tilespmem:s19+$0x70]  }
0x11: {  	v1 =	vld [tilespmem:s19+$0x0]  }
0x12: {  	v2 =	vld [tilespmem:s19+$0x10]  }
0x13: {  	v3 =	vld [tilespmem:s19+$0x20]  }
0x14: {  	v4 =	vld [tilespmem:s19+$0x30]  }
0x15: {  	v5 =	vld [tilespmem:s19+$0x40]  }
0x16: {  	v0 =	vcvt.s32.f32 v0  }
0x17: {  	v1 =	vcvt.s32.f32 v1  }
0x18: {  	v6 =	vld [tilespmem:s19+$0x50];
	v2 =	vcvt.s32.f32 v2;
	v0 =	vmul.f32 $1.666666750e-02, v0  }
0x19: {  	v7 =	vld [tilespmem:s19+$0x60];
	v8 =	vmul.f32 $1.666666750e-02, v1;
	v1 =	vcvt.s32.f32 v3  }
0x1a: {  	v3 =	vcvt.s32.f32 v4;
	v4 =	vcvt.s32.f32 v5  }
0x1b: {  	v10 =	vmul.f32 $1.666666750e-02, v2;
	v0 =	vtrunc.f32 v0  }
0x1c: {  	v2 =	vmul.f32 $1.666666750e-02, v1;
	v5 =	vmul.f32 $1.666666750e-02, v3  }
0x1d: {  	v9 =	vcvt.f32.s32 v0;
	v0 =	vcvt.s32.f32 v6  }
0x1e: {  	v1 =	vmul.f32 $1.666666750e-02, v4;
	v6 =	vcvt.s32.f32 v7  }
0x1f: {  	v4 =	vtrunc.f32 v10;
	v3 =	vmul.f32 $1.666666750e-02, v0  }
0x20: {  	s20 =	simm.s32 $0x80;
	s21 =	simm.s32 $0x400;
	v0 =	vmul.f32 $1.666666750e-02, v6;
	[tilespmem:s19+$0x1970] =	vst v9;
	v6 =	vtrunc.f32 v8  }
.LBB2_2:
0x21: {  	p0 =	sne.s32 s21, $0x6200;
	v7 =	vld [tilespmem:s20+$0x70];
	v2 =	vtrunc.f32 v2;
	v5 =	vtrunc.f32 v5  }
0x22: {  	v1 =	vtrunc.f32 v1;
	v3 =	vtrunc.f32 v3;
	v8 =	vld [tilespmem:s20+$0x0]  }
0x23: {  	v6 =	vcvt.f32.s32 v6;
	v0 =	vtrunc.f32 v0;
	v9 =	vld [tilespmem:s20+$0x10]  }
0x24: {  	v4 =	vcvt.f32.s32 v4;
	v2 =	vcvt.f32.s32 v2;
	v10 =	vld [tilespmem:s20+$0x20]  }
0x25: {  	v5 =	vcvt.f32.s32 v5;
	v1 =	vcvt.f32.s32 v1;
	v11 =	vld [tilespmem:s20+$0x30];
	[tilespmem:s19+$0x1900] =	vst v6  }
0x26: {  	v3 =	vcvt.f32.s32 v3;
	v6 =	vld [tilespmem:s20+$0x40];
	v7 =	vcvt.s32.f32 v7;
	[tilespmem:s19+$0x1910] =	vst v4  }
0x27: {  	v0 =	vcvt.f32.s32 v0;
	v4 =	vcvt.s32.f32 v8;
	v8 =	vld [tilespmem:s20+$0x50];
	[tilespmem:s19+$0x1920] =	vst v2  }
0x28: {  	v2 =	vcvt.s32.f32 v9;
	v9 =	vld [tilespmem:s20+$0x60];
	v7 =	vmul.f32 $1.666666750e-02, v7;
	[tilespmem:s19+$0x1930] =	vst v5  }
0x29: {  	v4 =	vmul.f32 $1.666666750e-02, v4;
	v5 =	vcvt.s32.f32 v10;
	[tilespmem:s19+$0x1940] =	vst v1  }
0x2a: {  	v1 =	vcvt.s32.f32 v11;
	v7 =	vtrunc.f32 v7;
	[tilespmem:s19+$0x1950] =	vst v3  }
0x2b: {  	v3 =	vcvt.s32.f32 v6;
	v6 =	vcvt.f32.s32 v7;
	[tilespmem:s19+$0x1960] =	vst v0;
	s19 =	smov.u32 s20  }
.Ltmp0:
0x2c: {  	v7 =	vmul.f32 $1.666666750e-02, v2;
	v0 =	vcvt.s32.f32 v8;
	(pc) =	sbr.rel @p0 .LBB2_2-.Ltmp0, $4  }
0x2d: {  	v2 =	vmul.f32 $1.666666750e-02, v5;
	v8 =	vcvt.s32.f32 v9;
	[tilespmem:s19+$0x1970] =	vst v6  }
0x2e: {  	v5 =	vmul.f32 $1.666666750e-02, v1;
	v1 =	vmul.f32 $1.666666750e-02, v3  }
0x2f: {  	v3 =	vmul.f32 $1.666666750e-02, v0;
	v0 =	vmul.f32 $1.666666750e-02, v8  }
0x30: {  	s20 =	sshra.s32 s21, $0x2;
	s21 =	sadd.s32 $0x200, s21;
	v6 =	vtrunc.f32 v4;
	v4 =	vtrunc.f32 v7  }
0x31: {  	v7 =	vld [tilespmem:s20+$0x70]  }
0x32: {  	v8 =	vld [tilespmem:s20+$0x0];
	v2 =	vtrunc.f32 v2  }
0x33: {  	v9 =	vld [tilespmem:s20+$0x10];
	v5 =	vtrunc.f32 v5;
	v6 =	vcvt.f32.s32 v6  }
0x34: {  	v10 =	vld [tilespmem:s20+$0x20];
	v1 =	vtrunc.f32 v1;
	v3 =	vtrunc.f32 v3  }
0x35: {  	v11 =	vld [tilespmem:s20+$0x30];
	v0 =	vtrunc.f32 v0;
	v4 =	vcvt.f32.s32 v4  }
0x36: {  	v2 =	vcvt.f32.s32 v2;
	v5 =	vcvt.f32.s32 v5  }
0x37: {  	v1 =	vcvt.f32.s32 v1;
	v3 =	vcvt.f32.s32 v3;
	[tilespmem:s19+$0x1900] =	vst v6  }
0x38: {  	v0 =	vcvt.f32.s32 v0;
	v6 =	vld [tilespmem:s20+$0x40];
	[tilespmem:s19+$0x1910] =	vst v4;
	v7 =	vcvt.s32.f32 v7  }
0x39: {  	v49 =	vld [tilespmem:s20+$0x50];
	v48 =	vcvt.s32.f32 v8;
	v50 =	vcvt.s32.f32 v9  }
0x3a: {  	v10 =	vcvt.s32.f32 v10;
	v11 =	vcvt.s32.f32 v11  }
0x3b: {  	[tilespmem:s19+$0x1920] =	vst v2;
	v7 =	vmul.f32 $1.666666750e-02, v7;
	v4 =	vmul.f32 $1.666666750e-02, v48  }
0x3c: {  	v51 =	vld [tilespmem:s20+$0x60];
	v2 =	vmul.f32 $1.666666750e-02, v50;
	v10 =	vmul.f32 $1.666666750e-02, v10  }
0x3d: {  	v53 =	vmul.f32 $1.666666750e-02, v11;
	v6 =	vcvt.s32.f32 v6  }
0x3e: {  	v7 =	vtrunc.f32 v7;
	v8 =	vcvt.s32.f32 v49  }
0x3f: {  	[tilespmem:s19+$0x1930] =	vst v5;
	v4 =	vtrunc.f32 v4;
	v57 =	vtrunc.f32 v2  }
0x40: {  	[tilespmem:s19+$0x1940] =	vst v1;
	v59 =	vtrunc.f32 v10;
	v60 =	vtrunc.f32 v53  }
0x41: {  	[tilespmem:s19+$0x1950] =	vst v3;
	v7 =	vcvt.f32.s32 v7;
	v52 =	vcvt.s32.f32 v51  }
0x42: {  	[tilespmem:s19+$0x1960] =	vst v0;
	v54 =	vmul.f32 $1.666666750e-02, v6;
	v58 =	vcvt.f32.s32 v4  }
0x43: {  	v0 =	vcvt.f32.s32 v57;
	v4 =	vcvt.f32.s32 v59;
	[tilespmem:s20+$0x1970] =	vst v7  }
0x44: {  	v61 =	vcvt.f32.s32 v60;
	v55 =	vmul.f32 $1.666666750e-02, v8;
	[tilespmem:s20+$0x1900] =	vst v58  }
0x45: {  	v56 =	vmul.f32 $1.666666750e-02, v52;
	v1 =	vtrunc.f32 v54;
	[tilespmem:s20+$0x1910] =	vst v0  }
0x46: {  	[tilespmem:s20+$0x1920] =	vst v4;
	v62 =	vtrunc.f32 v55;
	v1 =	vcvt.f32.s32 v1  }
0x47: {  	[tilespmem:s20+$0x1930] =	vst v61;
	v3 =	vtrunc.f32 v56;
	v0 =	vcvt.f32.s32 v62  }
0x48: {  	v63 =	vcvt.f32.s32 v3;
	[tilespmem:s20+$0x1940] =	vst v1  }
0x49: {  	[tilespmem:s20+$0x1950] =	vst v0  }
0x4a: {  	s19 =	simm.s32 $0x0;
	[tilespmem:s20+$0x1960] =	vst v63  }
0x4b: {  	[tilespmem:s11], [sflag:$0x1] =	stream.indirect.gather [hbm4b:s4+s10], $0x40, s19, s10, $0xb8;
	[tilespmem:$0xB200] =	vst v63  }
0x4c: {  	_ = 	snop  }
0x4d: {  	[tilespmem:s13], [sflag:$0x1] =	stream.indirect.gather [hbm4b:s5+s10], $0x40, s12, s10, $0xb8;
	[tilespmem:$0xB200] =	vst v63  }
.LBB2_4:
0x4e: {  	s20 =	sshll.u32 s19, $0x8  }
0x4f: {  	s21 =	sor.u32 $0x80, s20  }
0x50: {  	[tilespmem:s14], [sflag:$0x2] =	stream.indirect.gather [hbm4b:s4+s10], $0x40, s21, s10, $0xb8;
	[tilespmem:$0xB200] =	vst v63  }
0x51: {  	s31 =	sadd.s32 $0x1980, s20  }
0x52: {  	[tilespmem:s15], [sflag:$0x2] =	stream.indirect.gather [hbm4b:s5+s10], $0x40, s31, s10, $0xb8;
	[tilespmem:$0xB200] =	vst v63  }
0x53: {  	_ =	swait.ge [sflag:s16], $0x2000  }
0x54: {  	[sflag:s16] =	ssyncset.done $0x0  }
0x55: {  	[sflag:s16] =	ssyncadd.s32 $0xFFFFE000  }
0x56: {  	_ =	swait.ge [sflag:s16], $0x2000  }
0x57: {  	[sflag:s16] =	ssyncset.done $0x0  }
0x58: {  	s21 =	simm.s32 $0x0;
	[sflag:s16] =	ssyncadd.s32 $0xFFFFE000  }
0x59: {  	v6 =	vld [tilespmem:s21+$0x7200]  }
0x5a: {  	v7 =	vld [tilespmem:s21+$0x7210]  }
0x5b: {  	v8 =	vld [tilespmem:s21+$0x7220]  }
0x5c: {  	v9 =	vld [tilespmem:s21+$0x7230]  }
0x5d: {  	v10 =	vld [tilespmem:s21+$0x7240]  }
0x5e: {  	v11 =	vld [tilespmem:s21+$0x7250]  }
0x5f: {  	v12 =	vld [tilespmem:s21+$0x7260]  }
0x60: {  	v13 =	vld [tilespmem:s21+$0x7270]  }
0x61: {  	v14 =	vld [tilespmem:s21+$0x7280]  }
0x62: {  	v15 =	vld [tilespmem:s21+$0x7290]  }
0x63: {  	v5 =	vld [tilespmem:s21+$0x72A0]  }
0x64: {  	v4 =	vld [tilespmem:s21+$0x72B0]  }
0x65: {  	v3 =	vld [tilespmem:s21+$0x72C0]  }
0x66: {  	v2 =	vld [tilespmem:s21+$0x72D0]  }
0x67: {  	v1 =	vld [tilespmem:s21+$0x72E0]  }
0x68: {  	v0 =	vld [tilespmem:s21+$0x72F0]  }
0x69: {  	v16 =	vld [tilespmem:s21+$0x3200]  }
0x6a: {  	v17 =	vld [tilespmem:s21+$0x3210]  }
0x6b: {  	v18 =	vld [tilespmem:s21+$0x3220]  }
0x6c: {  	v19 =	vld [tilespmem:s21+$0x3230]  }
0x6d: {  	v20 =	vld [tilespmem:s21+$0x3240]  }
0x6e: {  	v60 =	vld [tilespmem:s21+$0x3250];
	v6 =	vadd.f32 v6, v16  }
0x6f: {  	v21 =	vld [tilespmem:s21+$0x3260];
	v7 =	vadd.f32 v7, v17  }
0x70: {  	v61 =	vld [tilespmem:s21+$0x3270];
	[tilespmem:s21+$0x3200] =	vst v6;
	v6 =	vadd.f32 v8, v18  }
0x71: {  	v62 =	vld [tilespmem:s21+$0x3280];
	[tilespmem:s21+$0x3210] =	vst v7;
	v7 =	vadd.f32 v9, v19  }
0x72: {  	v63 =	vld [tilespmem:s21+$0x3290];
	[tilespmem:s21+$0x3220] =	vst v6;
	v6 =	vadd.f32 v10, v20  }
0x73: {  	v8 =	vadd.f32 v11, v60;
	[tilespmem:s21+$0x3230] =	vst v7;
	v7 =	vld [tilespmem:s21+$0x32A0]  }
0x74: {  	v9 =	vadd.f32 v12, v21;
	[tilespmem:s21+$0x3240] =	vst v6;
	v6 =	vld [tilespmem:s21+$0x32B0]  }
0x75: {  	[tilespmem:s21+$0x3250] =	vst v8;
	v8 =	vld [tilespmem:s21+$0x32C0];
	v10 =	vadd.f32 v13, v61  }
0x76: {  	v12 =	vadd.f32 v14, v62;
	[tilespmem:s21+$0x3260] =	vst v9;
	v9 =	vld [tilespmem:s21+$0x32D0]  }
0x77: {  	s22 =	simm.s32 $0x400;
	v11 =	vadd.f32 v15, v63;
	[tilespmem:s21+$0x3270] =	vst v10;
	v10 =	vld [tilespmem:s21+$0x32E0]  }
.LBB2_5:
0x78: {  	s23 =	sshra.s32 s22, $0x2;
	p0 =	sne.s32 s22, $0x7C00;
	[tilespmem:s21+$0x3280] =	vst v12;
	v5 =	vadd.f32 v5, v7;
	v7 =	vld [tilespmem:s21+$0x32F0]  }
0x79: {  	v12 =	vld [tilespmem:s23+$0x7200];
	[tilespmem:s21+$0x3290] =	vst v11;
	v4 =	vadd.f32 v4, v6  }
0x7a: {  	v6 =	vld [tilespmem:s23+$0x7210];
	[tilespmem:s21+$0x32A0] =	vst v5;
	v3 =	vadd.f32 v3, v8  }
0x7b: {  	v8 =	vld [tilespmem:s23+$0x7220];
	[tilespmem:s21+$0x32B0] =	vst v4;
	v2 =	vadd.f32 v2, v9  }
0x7c: {  	v9 =	vld [tilespmem:s23+$0x7230];
	[tilespmem:s21+$0x32C0] =	vst v3;
	v1 =	vadd.f32 v1, v10  }
0x7d: {  	v10 =	vld [tilespmem:s23+$0x7240];
	[tilespmem:s21+$0x32D0] =	vst v2;
	v0 =	vadd.f32 v0, v7  }
0x7e: {  	v7 =	vld [tilespmem:s23+$0x7250];
	[tilespmem:s21+$0x32E0] =	vst v1  }
0x7f: {  	v11 =	vld [tilespmem:s23+$0x7260];
	[tilespmem:s21+$0x32F0] =	vst v0;
	s21 =	smov.u32 s23  }
0x80: {  	v13 =	vld [tilespmem:s21+$0x7270]  }
0x81: {  	v14 =	vld [tilespmem:s21+$0x7280]  }
0x82: {  	v15 =	vld [tilespmem:s21+$0x7290]  }
0x83: {  	v5 =	vld [tilespmem:s21+$0x72A0]  }
0x84: {  	v4 =	vld [tilespmem:s21+$0x72B0]  }
0x85: {  	v3 =	vld [tilespmem:s21+$0x72C0]  }
0x86: {  	v2 =	vld [tilespmem:s21+$0x72D0]  }
0x87: {  	v1 =	vld [tilespmem:s21+$0x72E0]  }
0x88: {  	v0 =	vld [tilespmem:s21+$0x72F0]  }
0x89: {  	v16 =	vld [tilespmem:s21+$0x3200]  }
0x8a: {  	v17 =	vld [tilespmem:s21+$0x3210]  }
0x8b: {  	v18 =	vld [tilespmem:s21+$0x3220]  }
0x8c: {  	v19 =	vld [tilespmem:s21+$0x3230]  }
0x8d: {  	v20 =	vld [tilespmem:s21+$0x3240]  }
0x8e: {  	v12 =	vadd.f32 v12, v16;
	v16 =	vld [tilespmem:s21+$0x3250]  }
0x8f: {  	v6 =	vadd.f32 v6, v17;
	v17 =	vld [tilespmem:s21+$0x3260]  }
0x90: {  	[tilespmem:s21+$0x3200] =	vst v12;
	v8 =	vadd.f32 v8, v18;
	v12 =	vld [tilespmem:s21+$0x3270]  }
0x91: {  	[tilespmem:s21+$0x3210] =	vst v6;
	v6 =	vadd.f32 v9, v19;
	v9 =	vld [tilespmem:s21+$0x3280]  }
0x92: {  	[tilespmem:s21+$0x3220] =	vst v8;
	v8 =	vadd.f32 v10, v20;
	v10 =	vld [tilespmem:s21+$0x3290]  }
.Ltmp1:
0x93: {  	[tilespmem:s21+$0x3230] =	vst v6;
	v16 =	vadd.f32 v7, v16;
	v7 =	vld [tilespmem:s21+$0x32A0];
	(pc) =	sbr.rel @p0 .LBB2_5-.Ltmp1, $4  }
0x94: {  	[tilespmem:s21+$0x3240] =	vst v8;
	v11 =	vadd.f32 v11, v17;
	v6 =	vld [tilespmem:s21+$0x32B0]  }
0x95: {  	[tilespmem:s21+$0x3250] =	vst v16;
	v13 =	vadd.f32 v13, v12;
	v8 =	vld [tilespmem:s21+$0x32C0]  }
0x96: {  	[tilespmem:s21+$0x3260] =	vst v11;
	v12 =	vadd.f32 v14, v9;
	v9 =	vld [tilespmem:s21+$0x32D0]  }
0x97: {  	s22 =	sadd.s32 $0x400, s22;
	[tilespmem:s21+$0x3270] =	vst v13;
	v11 =	vadd.f32 v15, v10;
	v10 =	vld [tilespmem:s21+$0x32E0]  }
0x98: {  	[tilespmem:s21+$0x3280] =	vst v12;
	v5 =	vadd.f32 v5, v7;
	v7 =	vld [tilespmem:s21+$0x32F0]  }
0x99: {  	[tilespmem:s21+$0x3290] =	vst v11;
	v4 =	vadd.f32 v4, v6  }
0x9a: {  	[tilespmem:s21+$0x32A0] =	vst v5;
	v3 =	vadd.f32 v3, v8  }
0x9b: {  	[tilespmem:s21+$0x32B0] =	vst v4;
	v2 =	vadd.f32 v2, v9  }
0x9c: {  	s22 =	sshll.u32 s19, $0xE;
	[tilespmem:s21+$0x32C0] =	vst v3;
	v1 =	vadd.f32 v1, v10  }
0x9d: {  	s22 =	sadd.s32 s7, s22;
	[tilespmem:s21+$0x32D0] =	vst v2;
	v0 =	vadd.f32 v0, v7  }
0x9e: {  	s22 =	sshrl.u32 s22, $0x3;
	[tilespmem:s21+$0x32E0] =	vst v1  }
0x9f: {  	s31 =	sadd.s32 s2, s22;
	[tilespmem:s21+$0x32F0] =	vst v0;
	s21 =	sshllo.u32 s19, $0x1  }
0xa0: {  	[hbm4b:s31+s3] =	stream.linear.scatter [tilespmem:s11], [sflag:$0x3], $0x2000, $0x38;
	[tilespmem:$0xB200] =	vst v63  }
0xa1: {  	p0 =	sgt.u32 s21, $0x30;
	_ =	swait.ge [sflag:s9], $0x2000  }
0xa2: {  	s22 =	sadd.s32 @!p0 $0x100, s20;
	[sflag:s9] =	ssyncset.done $0x0  }
0xa3: {  	s23 =	simm.s32 @!p0 $0x80;
	s24 =	simm.s32 @!p0 $0x3200;
	[sflag:s9] =	ssyncadd.s32 $0xFFFFE000  }
0xa4: {  	[tilespmem:s24], [sflag:$0x1] =	stream.indirect.gather @!p0 [hbm4b:s4+s23], $0x40, s22, s23, $0xb8;
	[tilespmem:$0xB200] =	vst v63  }
0xa5: {  	s20 =	sadd.s32 @!p0 $0x1A00, s20;
	s22 =	simm.s32 @!p0 $0x7200  }
0xa6: {  	[tilespmem:s22], [sflag:$0x1] =	stream.indirect.gather @!p0 [hbm4b:s5+s23], $0x40, s20, s23, $0xb8;
	[tilespmem:$0xB200] =	vst v63  }
0xa7: {  	_ =	swait.ge [sflag:s17], $0x2000  }
0xa8: {  	[sflag:s17] =	ssyncset.done $0x0  }
0xa9: {  	[sflag:s17] =	ssyncadd.s32 $0xFFFFE000  }
0xaa: {  	_ =	swait.ge [sflag:s17], $0x2000  }
0xab: {  	[sflag:s17] =	ssyncset.done $0x0  }
0xac: {  	s20 =	simm.s32 $0x0;
	[sflag:s17] =	ssyncadd.s32 $0xFFFFE000  }
0xad: {  	v6 =	vld [tilespmem:s20+$0x9200]  }
0xae: {  	v7 =	vld [tilespmem:s20+$0x9210]  }
0xaf: {  	v8 =	vld [tilespmem:s20+$0x9220]  }
0xb0: {  	v9 =	vld [tilespmem:s20+$0x9230]  }
0xb1: {  	v10 =	vld [tilespmem:s20+$0x9240]  }
0xb2: {  	v11 =	vld [tilespmem:s20+$0x9250]  }
0xb3: {  	v12 =	vld [tilespmem:s20+$0x9260]  }
0xb4: {  	v13 =	vld [tilespmem:s20+$0x9270]  }
0xb5: {  	v14 =	vld [tilespmem:s20+$0x9280]  }
0xb6: {  	v15 =	vld [tilespmem:s20+$0x9290]  }
0xb7: {  	v5 =	vld [tilespmem:s20+$0x92A0]  }
0xb8: {  	v4 =	vld [tilespmem:s20+$0x92B0]  }
0xb9: {  	v3 =	vld [tilespmem:s20+$0x92C0]  }
0xba: {  	v2 =	vld [tilespmem:s20+$0x92D0]  }
0xbb: {  	v1 =	vld [tilespmem:s20+$0x92E0]  }
0xbc: {  	v0 =	vld [tilespmem:s20+$0x92F0]  }
0xbd: {  	v16 =	vld [tilespmem:s20+$0x5200]  }
0xbe: {  	v17 =	vld [tilespmem:s20+$0x5210]  }
0xbf: {  	v18 =	vld [tilespmem:s20+$0x5220]  }
0xc0: {  	v19 =	vld [tilespmem:s20+$0x5230]  }
0xc1: {  	v20 =	vld [tilespmem:s20+$0x5240]  }
0xc2: {  	v60 =	vld [tilespmem:s20+$0x5250];
	v6 =	vadd.f32 v6, v16  }
0xc3: {  	v21 =	vld [tilespmem:s20+$0x5260];
	v7 =	vadd.f32 v7, v17  }
0xc4: {  	v61 =	vld [tilespmem:s20+$0x5270];
	[tilespmem:s20+$0x5200] =	vst v6;
	v6 =	vadd.f32 v8, v18  }
0xc5: {  	v62 =	vld [tilespmem:s20+$0x5280];
	[tilespmem:s20+$0x5210] =	vst v7;
	v7 =	vadd.f32 v9, v19  }
0xc6: {  	v63 =	vld [tilespmem:s20+$0x5290];
	[tilespmem:s20+$0x5220] =	vst v6;
	v6 =	vadd.f32 v10, v20  }
0xc7: {  	v8 =	vadd.f32 v11, v60;
	[tilespmem:s20+$0x5230] =	vst v7;
	v7 =	vld [tilespmem:s20+$0x52A0]  }
0xc8: {  	v9 =	vadd.f32 v12, v21;
	[tilespmem:s20+$0x5240] =	vst v6;
	v6 =	vld [tilespmem:s20+$0x52B0]  }
0xc9: {  	[tilespmem:s20+$0x5250] =	vst v8;
	v8 =	vld [tilespmem:s20+$0x52C0];
	v10 =	vadd.f32 v13, v61  }
0xca: {  	v12 =	vadd.f32 v14, v62;
	[tilespmem:s20+$0x5260] =	vst v9;
	v9 =	vld [tilespmem:s20+$0x52D0]  }
0xcb: {  	s22 =	simm.s32 $0x400;
	v11 =	vadd.f32 v15, v63;
	[tilespmem:s20+$0x5270] =	vst v10;
	v10 =	vld [tilespmem:s20+$0x52E0]  }
.LBB2_7:
0xcc: {  	s23 =	sshra.s32 s22, $0x2;
	p0 =	sne.s32 s22, $0x7C00;
	[tilespmem:s20+$0x5280] =	vst v12;
	v5 =	vadd.f32 v5, v7;
	v7 =	vld [tilespmem:s20+$0x52F0]  }
0xcd: {  	v12 =	vld [tilespmem:s23+$0x9200];
	[tilespmem:s20+$0x5290] =	vst v11;
	v4 =	vadd.f32 v4, v6  }
0xce: {  	v6 =	vld [tilespmem:s23+$0x9210];
	[tilespmem:s20+$0x52A0] =	vst v5;
	v3 =	vadd.f32 v3, v8  }
0xcf: {  	v8 =	vld [tilespmem:s23+$0x9220];
	[tilespmem:s20+$0x52B0] =	vst v4;
	v2 =	vadd.f32 v2, v9  }
0xd0: {  	v9 =	vld [tilespmem:s23+$0x9230];
	[tilespmem:s20+$0x52C0] =	vst v3;
	v1 =	vadd.f32 v1, v10  }
0xd1: {  	v10 =	vld [tilespmem:s23+$0x9240];
	[tilespmem:s20+$0x52D0] =	vst v2;
	v0 =	vadd.f32 v0, v7  }
0xd2: {  	v7 =	vld [tilespmem:s23+$0x9250];
	[tilespmem:s20+$0x52E0] =	vst v1  }
0xd3: {  	v11 =	vld [tilespmem:s23+$0x9260];
	[tilespmem:s20+$0x52F0] =	vst v0;
	s20 =	smov.u32 s23  }
0xd4: {  	v13 =	vld [tilespmem:s20+$0x9270]  }
0xd5: {  	v14 =	vld [tilespmem:s20+$0x9280]  }
0xd6: {  	v15 =	vld [tilespmem:s20+$0x9290]  }
0xd7: {  	v5 =	vld [tilespmem:s20+$0x92A0]  }
0xd8: {  	v4 =	vld [tilespmem:s20+$0x92B0]  }
0xd9: {  	v3 =	vld [tilespmem:s20+$0x92C0]  }
0xda: {  	v2 =	vld [tilespmem:s20+$0x92D0]  }
0xdb: {  	v1 =	vld [tilespmem:s20+$0x92E0]  }
0xdc: {  	v0 =	vld [tilespmem:s20+$0x92F0]  }
0xdd: {  	v16 =	vld [tilespmem:s20+$0x5200]  }
0xde: {  	v17 =	vld [tilespmem:s20+$0x5210]  }
0xdf: {  	v18 =	vld [tilespmem:s20+$0x5220]  }
0xe0: {  	v19 =	vld [tilespmem:s20+$0x5230]  }
0xe1: {  	v20 =	vld [tilespmem:s20+$0x5240]  }
0xe2: {  	v12 =	vadd.f32 v12, v16;
	v16 =	vld [tilespmem:s20+$0x5250]  }
0xe3: {  	v6 =	vadd.f32 v6, v17;
	v17 =	vld [tilespmem:s20+$0x5260]  }
0xe4: {  	[tilespmem:s20+$0x5200] =	vst v12;
	v8 =	vadd.f32 v8, v18;
	v12 =	vld [tilespmem:s20+$0x5270]  }
0xe5: {  	[tilespmem:s20+$0x5210] =	vst v6;
	v6 =	vadd.f32 v9, v19;
	v9 =	vld [tilespmem:s20+$0x5280]  }
0xe6: {  	[tilespmem:s20+$0x5220] =	vst v8;
	v8 =	vadd.f32 v10, v20;
	v10 =	vld [tilespmem:s20+$0x5290]  }
.Ltmp2:
0xe7: {  	[tilespmem:s20+$0x5230] =	vst v6;
	v16 =	vadd.f32 v7, v16;
	v7 =	vld [tilespmem:s20+$0x52A0];
	(pc) =	sbr.rel @p0 .LBB2_7-.Ltmp2, $4  }
0xe8: {  	[tilespmem:s20+$0x5240] =	vst v8;
	v11 =	vadd.f32 v11, v17;
	v6 =	vld [tilespmem:s20+$0x52B0]  }
0xe9: {  	[tilespmem:s20+$0x5250] =	vst v16;
	v13 =	vadd.f32 v13, v12;
	v8 =	vld [tilespmem:s20+$0x52C0]  }
0xea: {  	[tilespmem:s20+$0x5260] =	vst v11;
	v12 =	vadd.f32 v14, v9;
	v9 =	vld [tilespmem:s20+$0x52D0]  }
0xeb: {  	s22 =	sadd.s32 $0x400, s22;
	[tilespmem:s20+$0x5270] =	vst v13;
	v11 =	vadd.f32 v15, v10;
	v10 =	vld [tilespmem:s20+$0x52E0]  }
0xec: {  	[tilespmem:s20+$0x5280] =	vst v12;
	v5 =	vadd.f32 v5, v7;
	v63 =	vld [tilespmem:s20+$0x52F0]  }
0xed: {  	[tilespmem:s20+$0x5290] =	vst v11;
	v4 =	vadd.f32 v4, v6  }
0xee: {  	[tilespmem:s20+$0x52A0] =	vst v5;
	v3 =	vadd.f32 v3, v8  }
0xef: {  	[tilespmem:s20+$0x52B0] =	vst v4;
	v2 =	vadd.f32 v2, v9  }
0xf0: {  	s21 =	sshll.u32 s21, $0xD;
	[tilespmem:s20+$0x52C0] =	vst v3;
	v1 =	vadd.f32 v1, v10  }
0xf1: {  	s19 =	sadd.s32 $0x1, s19;
	s21 =	sadd.s32 s7, s21;
	[tilespmem:s20+$0x52D0] =	vst v2;
	v0 =	vadd.f32 v0, v63  }
0xf2: {  	p0 =	sne.s32 s19, $0x19;
	s21 =	sshrl.u32 s21, $0x3;
	[tilespmem:s20+$0x52E0] =	vst v1  }
.Ltmp3:
0xf3: {  	s31 =	sadd.s32 s2, s21;
	[tilespmem:s20+$0x52F0] =	vst v0;
	(pc) =	sbr.rel @p0 .LBB2_4-.Ltmp3, $4  }
0xf4: {  	[hbm4b:s31+s3] =	stream.linear.scatter [tilespmem:s14], [sflag:$0x3], $0x2000, $0x38;
	[tilespmem:$0xB200] =	vst v63  }
0xf5: {  	_ =	swait.ge [sflag:s9], $0x2000  }
0xf6: {  	[sflag:s9] =	ssyncset.done $0x0  }
0xf7: {  	[sflag:s9] =	ssyncadd.s32 $0xFFFFE000  }
0xf8: {  	s18 =	sadd.s32 $0x1, s18  }
0xf9: {  	p0 =	sne.s32 s18, s8  }
.Ltmp4:
0xfa: {  	_ = 	snop;
	(pc) =	sbr.rel @p0 .LBB2_1-.Ltmp4, $1  }
0xfb: {  	_ =	sdelay $0x3  }
0xfc: {  	_ =	sfence.sel $0x180000  }
0xfd: {  	[bflag:$0x0] =	sbarrier.arrive $0xFFFF  }
0xfe: {  	p0 =	sne.s32 s0, $0x0;
	_ =	strace $0x9000004A  }
0xff: {  	s0 =	sadd.s32 @!p0 $0x100000, s1;
	[bflag:$0x2] =	sbarrier.arrive $0xFFFF  }
0x100: {  	[sflag:s0] =	ssyncadd.tile.s32 @!p0 $0x1;
	_ =	shalt  }
.Lfunc_end2:
_tile_overlayer_lowered:
.L_overlay_start_2:
0x101: {  	(tag) =	ssettag $0x2  }
0x102: {  	s0 =	rddreg [dreg:$0x0];
	s2 =	stileid.u32  }
0x103: {  	s1 =	rddreg [dreg:$0x1];
	p0 =	sne.s32 s2, $0x0  }
0x104: {  	s3 =	rddreg [dreg:$0x2];
	[bflag:$0x3] =	sbarrier.arrive $0xFFFF;
	s2 =	simm.s32 @!p0 $0x1C03  }
0x105: {  	[timem:s3], [sflag:s2] =	dma.local @!p0 [hbm:s0], s1  }
0x106: {  	s0 =	simm.s32 @!p0 $0x3  }
0x107: {  	_ =	swait.ge @!p0 [sflag:s0], s1  }
0x108: {  	s1 =	ssub.s32 @!p0 $0x0, s1;
	[sflag:s0] =	ssyncset.done @!p0 $0x0  }
0x109: {  	[sflag:s0] =	ssyncadd.s32 @!p0 s1  }
0x10a: {  	[bflag:$0x3] =	sbarrier.arrive $0xFFFF  }
0x10b: {  	_ =	shalt  }

// kernel: sparse-core-data-format-call.1.cloned.1.call-start
scs
called_computation.1_lowered:
.L_overlay_start_0:
0x0: {  	s1 =	sld [smem:$0x3FD9]  }
0x1: {  	s2 =	sld [smem:$0x3FFE];
	_ =	sdelay $0x1  }
0x2: {  	s3 =	srdreg.scid  }
0x3: {  	s0 =	sand.u32 $0x1, s3  }
0x4: {  	s17 =	sshll.u32 s0, $0xA;
	s1 =	sadd.s32 s2, s1  }
0x5: {  	s1 =	sadd.s32 s1, s17  }
0x6: {  	[smem:$0x3FC3] =	sst s1  }
0x7: {  	_ = 	snop  }
0x8: {  	(tm) =	ssettm $0x1  }
0x9: {  	s18 =	sld [smem:$0x3FFB];
	_ =	sdelay $0x3  }
0xa: {  	_ =	strace s18  }
0xb: {  	s1 =	sld [smem:$0x3FFC];
	_ =	sdelay $0x3  }
0xc: {  	_ =	strace s1  }
0xd: {  	s1 =	sld [smem:$0x3FFD];
	_ =	sdelay $0x3  }
0xe: {  	_ =	strace s1  }
0xf: {  	_ =	strace $0x8FFFFFFF  }
0x10: {  	s19 =	sld [smem:$0x3FDB];
	_ =	sdelay $0x1  }
0x11: {  	s20 =	simm.s32 $_scs_section_size  }
0x12: {  	s4 =	simm.s32 $_size__tile_overlayer_lowered;
	s5 =	simm.s32 $_tile_overlayer_lowered  }
0x13: {  	s23 =	simm.s32 $0x1BFF;
	s22 =	sshll.u32 s5, $0x1;
	s1 =	sadd.s32 s20, s19  }
0x14: {  	s6 =	simm.s32 $0x0;
	s21 =	sshll.u32 s4, $0x1;
	s4 =	sadd.s32 s22, s1  }
0x15: {  	[timem:s6], [sflag:s23] =	dma.local [hbm:s4], s21  }
0x16: {  	_ =	swait.ge [sflag:s23], s21  }
0x17: {  	s2 =	ssub.s32 $0x0, s21;
	[sflag:s23] =	ssyncset.done $0x0  }
0x18: {  	[sflag:s23] =	ssyncadd.s32 s2;
	_ =	sdelay $0x1  }
0x19: {  	s24 =	simm.s32 $0x1B8B  }
0x1a: {  	_ =	swait.ge [sflag:s24], $0x1  }
0x1b: {  	[sflag:s24] =	ssyncset.done $0x0  }
0x1c: {  	s26 =	simm.s32 $0x1B8E;
	s25 =	sld [smem:$0x3FFE];
	[sflag:s24] =	ssyncadd.s32 $0xFFFFFFFF  }
0x1d: {  	s27 =	simm.s32 $execute0_lowered;
	[smem:$0x3FD2] =	sst s26  }
0x1e: {  	s4 =	sshll.u32 s27, $0x1;
	_ =	strace $0x80000046;
	[dreg:$0x1] =	wrdreg $0xFFFFFFFF  }
0x1f: {  	s28 =	simm.s32 $_size_execute0_lowered;
	s1 =	sadd.s32 s1, s4;
	[dreg:$0x0] =	wrdreg $0x0  }
0x20: {  	s4 =	sshll.u32 s28, $0x1;
	[dreg:$0x2] =	wrdreg s1  }
0x21: {  	[dreg:$0x3] =	wrdreg s4  }
0x22: {  	[dreg:$0x4] =	wrdreg $0xC0  }
0x23: {  	_ =	task [dreg:s6], $0x5FFFF  }
0x24: {  	[dreg:$0x1] =	wrdreg $0xFFFFFFFF  }
0x25: {  	[dreg:$0x0] =	wrdreg $0x60  }
0x26: {  	[dreg:$0x2] =	wrdreg s25  }
0x27: {  	[dreg:$0x3] =	wrdreg $0x9  }
0x28: {  	_ =	task.clear_ibuf [dreg:s6], $0x4FFFF;
	_ =	strace $0x90000046  }
0x29: {  	s29 =	simm.s32 $0x9;
	_ =	strace $0x80000048  }
0x2a: {  	_ =	swait.ge [sflag:s29], $0x1  }
0x2b: {  	[sflag:s29] =	ssyncadd.s32 $0xFFFFFFFF  }
0x2c: {  	_ =	strace $0x90000048  }
0x2d: {  	_ =	sfence  }
0x2e: {  	s30 =	sld [smem:$0x0];
	_ =	sdelay $0x2  }
0x2f: {  	s31 =	sshll.u32 s3, $0xD;
	s3 =	sshrl.u32 s3, $0x2  }
0x30: {  	s2 =	sand.u32 $0x4000, s31;
	s1 =	sadd.s32 s3, s30  }
0x31: {  	s0 =	sor.u32 s2, s0;
	s1 =	sshll.u32 s1, $0x11  }
0x32: {  	s0 =	sor.u32 s1, s0  }
0x33: {  	s0 =	sadd.s32 $0x8F2B, s0  }
0x34: {  	[sflag:s0] =	ssyncadd.remote.s32 $0x1  }
0x35: {  	_ =	sfence.sel $0xFFFF  }
0x36: {  	[dreg:$0x0] =	wrdreg $0xFFFFFFFF;
	(pc) =	sbr.abs _section_cstart, $3  }
0x37: {  	[dreg:$0x1] =	wrdreg $0xFFFFFFFF  }
0x38: {  	_ =	task.clear_ibuf [dreg:s6], $0x2FFFF;
	_ =	strace $0x9FFFFFFF  }
0x39: {  	(tm) =	ssettm $0x7FFFFFFF  }
tec
execute0_lowered:
.L_overlay_start_1:
0x0: {  	(tag) =	ssettag $0x1  }
0x1: {  	s0 =	srdreg.scid  }
0x2: {  	s6 =	rddreg [dreg:$0x0];
	s7 =	simm.s32 $0x1;
	s1 =	sshll.u32 s0, $0x4  }
0x3: {  	s8 =	simm.s32 $0x2;
	s0 =	stileid.u32;
	s1 =	sand.u32 $0x10, s1  }
0x4: {  	s13 =	simm.s32 $0x0;
	s12 =	simm.s32 $0x0;
	s1 =	sor.u32 s0, s1  }
0x5: {  	s10 =	simm.s32 $0x0;
	s11 =	simm.s32 $0x0;
	s2 =	sshll.u32 s1, $0x7  }
0x6: {  	s3 =	sadd.s32 $0x1200, s6;
	s6 =	sadd.s32 $0x34CE00, s6;
	s5 =	ssub.s32 $0x69780, s2  }
.Ltmp0:
0x7: {  	s1 =	rddreg [dreg:$0x1];
	s4 =	sand.u32 $0xF80, s5;
	(pc) =	sbr.rel .LBB1_1-.Ltmp0, $4  }
0x8: {  	_ =	strace $0x80000047;
	s9 =	smov.u32 s2;
	p0 =	sne.s32 s4, $0x0  }
0x9: {  	s5 =	sshrl.u32 s5, $0xC;
	s4 =	simm.s32 $0x1;
	s7 =	simm.s32 @!p0 $0x0  }
0xa: {  	[sflag:s4] =	ssyncpa.u1 $0x0;
	p0 =	por $0x0, $0x0;
	s5 =	sadd.s32 s7, s5  }
0xb: {  	[sflag:s8] =	ssyncpa.u1 $0x0;
	s8 =	simm.s32 $0x80;
	s7 =	sadd.s32 $0x1, s5  }
.LBB1_4:
0xc: {  	s13 =	sshll.u32 s13, $0x7;
	s19 =	sshll.u32 s12, $0x3  }
0xd: {  	v5 =	vld [tilespmem:s17+$0xFFFFFFD0];
	[tilespmem:s16+$0x1040 ss:$0x41] =	vst.msk $0xffff, v4;
	s20 =	sand.u32 $0xFFFFFC00, s13;
	s19 =	sand.u32 $0xFFFFFC00, s19  }
0xe: {  	v58 =	vld [tilespmem:s17+$0xFFFFFFE0];
	[tilespmem:s16+$0x1450 ss:$0x41] =	vst.msk $0xffff, v3;
	s13 =	sand.u32 $0x380, s13;
	s19 =	sadd.s32 s19, s20  }
0xf: {  	s18 =	sshra.s32 s18, $0x2;
	v59 =	vld [tilespmem:s17+$0xFFFFFFF0];
	[tilespmem:s16+$0x1860 ss:$0x41] =	vst.msk $0xffff, v2;
	s13 =	sor.u32 s13, s19  }
0x10: {  	v60 =	vld [tilespmem:s17+$0x0];
	[tilespmem:s16+$0x0 ss:$0x41] =	vst.msk $0xffff, v0;
	s15 =	sadd.s32 s18, s15;
	s13 =	sshrl.u32 s13, $0x7  }
0x11: {  	v61 =	vld [tilespmem:s17+$0x10];
	[tilespmem:s15+$0x1C70 ss:$0x41] =	vst.msk $0xffff, v1;
	s28 =	smulhi.u32 $0x136B06F, s13  }
0x12: {  	v62 =	vld [tilespmem:s17+$0x20];
	[tilespmem:s15+$0x410 ss:$0x41] =	vst.msk $0xffff, v5  }
0x13: {  	v63 =	vld [tilespmem:s17+$0xFFFFFFC0];
	[tilespmem:s15+$0x820 ss:$0x41] =	vst.msk $0xffff, v58;
	s16 =	sshrl.u32 s28, $0xB  }
0x14: {  	[tilespmem:s15+$0xC30 ss:$0x41] =	vst.msk $0xffff, v59;
	s16 =	smul.u32 $0x69780, s16  }
0x15: {  	s29 =	sshrl.u32 s12, $0x3;
	[tilespmem:s15+$0x1040 ss:$0x41] =	vst.msk $0xffff, v60  }
0x16: {  	s31 =	sand.u32 $0x7, s12;
	s30 =	sand.u32 $0xF, s29;
	[tilespmem:s15+$0x1450 ss:$0x41] =	vst.msk $0xffff, v61;
	s13 =	ssub.s32 s13, s16  }
0x17: {  	s12 =	sshll.u32 s31, $0x12;
	[tilespmem:s15+$0x1860 ss:$0x41] =	vst.msk $0xffff, v62;
	s16 =	sadd.s32 s6, s30;
	s13 =	sshll.u32 s13, $0x4  }
0x18: {  	s12 =	sor.u32 $0x40, s12;
	[tilespmem:s15+$0x0 ss:$0x41] =	vst.msk $0xffff, v63;
	s13 =	sadd.s32 s13, s16  }
0x19: {  	[hbm4b:s13+s12] =	stream.strided.scatter [tilespmem:s14], [sflag:$0x2], $0x2000, s8, s12, $0x18;
	[tilespmem:$0x8100] =	vst v63  }
.LBB1_5:
0x1a: {  	s14 =	sadd.s32 $0x1000, s9  }
0x1b: {  	s12 =	sadd.s32 $0x40, s10;
	s16 =	smov.u32 s10;
	p2 =	sgt.s32 s14, $0x6977F  }
0x1c: {  	s16 =	smov.u32 @p2 s12  }
0x1d: {  	s14 =	smov.u32 @p2 s2;
	p2 =	sgt.s32 s16, $0x3F  }
0x1e: {  	s16 =	simm.s32 @p2 $0x0;
	p2 =	sne.s32 s11, s7  }
.Ltmp1:
0x1f: {  	p1 =	slt.u32 s11, $0x2;
	(pc) =	sbr.rel @!p2 .LBB1_6-.Ltmp1, $4  }
0x20: {  	s15 =	simm.s32 @!p1 $0x2  }
0x21: {  	s13 =	smov.u32 s9;
	p0 =	por !p0, !p0;
	_ =	swait.ge @!p1 [sflag:s15], $0x2000  }
0x22: {  	s12 =	smov.u32 s10;
	[sflag:s15] =	ssyncset.done @!p1 $0x0;
	s9 =	smov.u32 s14  }
0x23: {  	s11 =	sadd.s32 $0x1, s11;
	[sflag:s15] =	ssyncadd.s32 @!p1 $0xFFFFE000;
	s10 =	smov.u32 s16  }
.LBB1_1:
0x24: {  	p1 =	sge.u32 s11, s5  }
0x25: {  	s14 =	sshrl.u32 @!p1 s10, $0x3  }
0x26: {  	s15 =	sshll.u32 @!p1 s9, $0x3;
	s14 =	smul.u32 @!p1 $0x34BC00, s14  }
0x27: {  	s16 =	sshll.u32 @!p1 s10, $0x7;
	s15 =	sand.u32 @!p1 $0xFFFFFC00, s15  }
0x28: {  	s14 =	sadd.s32 @!p1 s14, s15;
	s15 =	sand.u32 @!p1 $0x380, s16  }
0x29: {  	s14 =	sor.u32 @!p1 s15, s14  }
0x2a: {  	s15 =	sshrl.u32 @!p1 s14, $0x7  }
0x2b: {  	s15 =	smulhi.u32 @!p1 $0x136B06F, s15;
	_ =	sdelay $0x1  }
0x2c: {  	s15 =	sshrl.u32 @!p1 s15, $0x4  }
0x2d: {  	s16 =	sand.u32 @!p1 $0x7F, s9;
	s17 =	smul.u32 @!p1 $0x69780, s15  }
0x2e: {  	s31 =	sadd.s32 $0xFFFFFFFF, s11;
	s14 =	sor.u32 @!p1 s16, s14;
	s16 =	sxor.u32 @!p1 $0xFFFFFFFF, s11  }
0x2f: {  	s16 =	sshll.u32 @!p1 s16, $0xD;
	s15 =	sand.u32 @!p1 $0x3F, s15;
	s14 =	ssub.s32 @!p1 s14, s17  }
0x30: {  	s15 =	smul.u32 @!p1 $0xD2F0, s15;
	s17 =	sshrl.u32 @!p1 s14, $0x3;
	s14 =	sand.u32 @!p1 $0x7, s14  }
0x31: {  	s16 =	sand.u32 @!p1 $0x2000, s16;
	s17 =	sadd.s32 @!p1 s3, s17;
	s14 =	sshll.u32 @!p1 s14, $0x12  }
0x32: {  	s15 =	sadd.s32 @!p1 s15, s17;
	s14 =	sor.u32 @!p1 $0x400, s14;
	s17 =	simm.s32 @!p1 $0x34BC00  }
0x33: {  	[tilespmem:s16], [sflag:$0x1] =	stream.strided.gather @!p1 [hbm4b:s15+s14], $0x2000, s17, s14, $0x38;
	[tilespmem:$0x8100] =	vst v63  }
0x34: {  	p1 =	sge.u32 s31, s5  }
.Ltmp2:
0x35: {  	_ = 	snop;
	(pc) =	sbr.rel @p1 .LBB1_5-.Ltmp2, $1  }
0x36: {  	_ =	sdelay $0x3  }
0x37: {  	s14 =	simm.s32 $0x1  }
0x38: {  	_ =	swait.ge [sflag:s4], $0x2000;
	s14 =	simm.s32 @!p0 $0x0  }
0x39: {  	[sflag:s4] =	ssyncset.done $0x0;
	s15 =	sshll.u32 s14, $0xD  }
0x3a: {  	[sflag:s4] =	ssyncadd.s32 $0xFFFFE000;
	s17 =	sor.u32 $0x40, s15  }
0x3b: {  	s14 =	smul.u32 $0x8200, s14;
	v0 =	vld [tilespmem:s17+$0x30]  }
0x3c: {  	v1 =	vld [tilespmem:s17+$0xFFFFFFD0]  }
0x3d: {  	s14 =	sshrl.u32 s14, $0x2;
	v5 =	vld [tilespmem:s17+$0xFFFFFFE0]  }
0x3e: {  	v6 =	vld [tilespmem:s17+$0xFFFFFFF0];
	s15 =	sor.u32 $0x4000, s14  }
0x3f: {  	s31 =	sand.u32 $0x1, s11;
	v4 =	vld [tilespmem:s17+$0x0];
	s16 =	sadd.s32 $0x0, s15  }
0x40: {  	v3 =	vld [tilespmem:s17+$0x10];
	s14 =	smul.u32 $0x8200, s31;
	[tilespmem:s16+$0x1C70 ss:$0x41] =	vst.msk $0xffff, v0  }
0x41: {  	v2 =	vld [tilespmem:s17+$0x20];
	[tilespmem:s16+$0x410 ss:$0x41] =	vst.msk $0xffff, v1  }
0x42: {  	s14 =	sshrl.u32 s14, $0x2;
	v0 =	vld [tilespmem:s17+$0xFFFFFFC0];
	[tilespmem:s16+$0x820 ss:$0x41] =	vst.msk $0xffff, v5;
	s17 =	sadd.s32 $0x80, s17  }
0x43: {  	s18 =	simm.s32 $0x4;
	s19 =	simm.s32 $0x8;
	s14 =	sor.u32 $0x4000, s14;
	[tilespmem:s16+$0xC30 ss:$0x41] =	vst.msk $0xffff, v6;
	v1 =	vld [tilespmem:s17+$0x30]  }
.LBB1_3:
0x44: {  	p1 =	sne.s32 s19, $0xFC;
	v5 =	vld [tilespmem:s17+$0xFFFFFFD0];
	[tilespmem:s16+$0x1040 ss:$0x41] =	vst.msk $0xffff, v4  }
0x45: {  	v6 =	vld [tilespmem:s17+$0xFFFFFFE0];
	[tilespmem:s16+$0x1450 ss:$0x41] =	vst.msk $0xffff, v3  }
0x46: {  	s20 =	sshra.s32 s18, $0x2;
	s18 =	smov.u32 s19;
	v7 =	vld [tilespmem:s17+$0xFFFFFFF0];
	[tilespmem:s16+$0x1860 ss:$0x41] =	vst.msk $0xffff, v2  }
.Ltmp3:
0x47: {  	v4 =	vld [tilespmem:s17+$0x0];
	[tilespmem:s16+$0x0 ss:$0x41] =	vst.msk $0xffff, v0;
	s16 =	sadd.s32 s20, s15;
	(pc) =	sbr.rel @p1 .LBB1_3-.Ltmp3, $4  }
0x48: {  	v3 =	vld [tilespmem:s17+$0x10];
	[tilespmem:s16+$0x1C70 ss:$0x41] =	vst.msk $0xffff, v1  }
0x49: {  	[tilespmem:s16+$0x410 ss:$0x41] =	vst.msk $0xffff, v5;
	v2 =	vld [tilespmem:s17+$0x20]  }
0x4a: {  	v0 =	vld [tilespmem:s17+$0xFFFFFFC0];
	[tilespmem:s16+$0x820 ss:$0x41] =	vst.msk $0xffff, v6;
	s17 =	sadd.s32 $0x80, s17  }
0x4b: {  	s19 =	sadd.s32 $0x4, s19;
	v1 =	vld [tilespmem:s17+$0x30];
	[tilespmem:s16+$0xC30 ss:$0x41] =	vst.msk $0xffff, v7  }
.Ltmp4:
0x4c: {  	_ = 	snop;
	(pc) =	sbr.rel .LBB1_4-.Ltmp4, $1  }
0x4d: {  	_ =	sdelay $0x3  }
.LBB1_6:
0x4e: {  	_ =	sfence.sel $0x180000  }
0x4f: {  	s2 =	simm.s32 $0x1;
	[bflag:$0x0] =	sbarrier.arrive $0xFFFF  }
0x50: {  	s31 =	simm.s32 $0x2;
	[sflag:s2] =	ssyncpa.u1 $0x1  }
0x51: {  	[sflag:s31] =	ssyncpa.u1 $0x1  }
0x52: {  	p0 =	sne.s32 s0, $0x0;
	_ =	strace $0x90000047  }
0x53: {  	s0 =	sadd.s32 @!p0 $0x100000, s1;
	[bflag:$0x2] =	sbarrier.arrive $0xFFFF  }
0x54: {  	[sflag:s0] =	ssyncadd.tile.s32 @!p0 $0x1;
	_ =	shalt  }
.Lfunc_end1:
_tile_overlayer_lowered:
.L_overlay_start_2:
0x55: {  	(tag) =	ssettag $0x2  }
0x56: {  	s0 =	rddreg [dreg:$0x0];
	s2 =	stileid.u32  }
0x57: {  	s1 =	rddreg [dreg:$0x1];
	p0 =	sne.s32 s2, $0x0  }
0x58: {  	s3 =	rddreg [dreg:$0x2];
	[bflag:$0x3] =	sbarrier.arrive $0xFFFF;
	s2 =	simm.s32 @!p0 $0x1C01  }
0x59: {  	[timem:s3], [sflag:s2] =	dma.local @!p0 [hbm:s0], s1  }
0x5a: {  	s0 =	simm.s32 @!p0 $0x1  }
0x5b: {  	_ =	swait.ge @!p0 [sflag:s0], s1  }
0x5c: {  	s1 =	ssub.s32 @!p0 $0x0, s1;
	[sflag:s0] =	ssyncset.done @!p0 $0x0  }
0x5d: {  	[sflag:s0] =	ssyncadd.s32 @!p0 s1  }
0x5e: {  	[bflag:$0x3] =	sbarrier.arrive $0xFFFF  }
0x5f: {  	_ =	shalt  }

// kernel: sparse-core-data-format-call.cloned.1.call-start
scs
called_computation_lowered:
.L_overlay_start_0:
0x0: {  	s2 =	sld [smem:$0x3FD9]  }
0x1: {  	s3 =	sld [smem:$0x3FFE];
	_ =	sdelay $0x1  }
0x2: {  	s1 =	srdreg.scid  }
0x3: {  	s0 =	sand.u32 $0x1, s1  }
0x4: {  	s18 =	sshll.u32 s0, $0xA;
	s2 =	sadd.s32 s3, s2  }
0x5: {  	s2 =	sadd.s32 s2, s18  }
0x6: {  	[smem:$0x3FC3] =	sst s2  }
0x7: {  	_ = 	snop  }
0x8: {  	s2 =	sld [smem:$0x3FD0];
	(tm) =	ssettm $0x1  }
0x9: {  	s19 =	sld [smem:$0x3FFB];
	_ =	sdelay $0x3  }
0xa: {  	_ =	strace s19  }
0xb: {  	s3 =	sld [smem:$0x3FFC];
	_ =	sdelay $0x3  }
0xc: {  	_ =	strace s3  }
0xd: {  	s3 =	sld [smem:$0x3FFD];
	_ =	sdelay $0x3  }
0xe: {  	_ =	strace s3  }
0xf: {  	_ =	strace $0x8FFFFFFF  }
0x10: {  	s20 =	sld [smem:$0x3FDB];
	_ =	sdelay $0x1  }
0x11: {  	s4 =	simm.s32 $_scs_section_size  }
0x12: {  	s5 =	simm.s32 $_size__tile_overlayer_lowered;
	s6 =	simm.s32 $_tile_overlayer_lowered  }
0x13: {  	s23 =	simm.s32 $0x1BFF;
	s22 =	sshll.u32 s6, $0x1;
	s3 =	sadd.s32 s4, s20  }
0x14: {  	s7 =	simm.s32 $0x0;
	s21 =	sshll.u32 s5, $0x1;
	s5 =	sadd.s32 s22, s3  }
0x15: {  	[timem:s7], [sflag:s23] =	dma.local [hbm:s5], s21  }
0x16: {  	_ =	swait.ge [sflag:s23], s21  }
0x17: {  	s4 =	ssub.s32 $0x0, s21;
	[sflag:s23] =	ssyncset.done $0x0  }
0x18: {  	[sflag:s23] =	ssyncadd.s32 s4;
	_ =	sdelay $0x1  }
0x19: {  	s24 =	simm.s32 $0x1B8B  }
0x1a: {  	_ =	swait.ge [sflag:s24], $0x1  }
0x1b: {  	[sflag:s24] =	ssyncset.done $0x0  }
0x1c: {  	s26 =	simm.s32 $0x1B8E;
	s25 =	sld [smem:$0x3FFE];
	[sflag:s24] =	ssyncadd.s32 $0xFFFFFFFF  }
0x1d: {  	s27 =	simm.s32 $execute0_lowered;
	[smem:$0x3FD2] =	sst s26  }
0x1e: {  	s5 =	sshll.u32 s27, $0x1;
	_ =	strace $0x8000004C;
	[dreg:$0x1] =	wrdreg $0xFFFFFFFF  }
0x1f: {  	s28 =	simm.s32 $_size_execute0_lowered;
	s3 =	sadd.s32 s3, s5;
	[dreg:$0x0] =	wrdreg $0x0  }
0x20: {  	s5 =	sshll.u32 s28, $0x1;
	[dreg:$0x2] =	wrdreg s3  }
0x21: {  	[dreg:$0x3] =	wrdreg s5  }
0x22: {  	[dreg:$0x4] =	wrdreg $0xC0  }
0x23: {  	_ =	task [dreg:s7], $0x5FFFF  }
0x24: {  	[dreg:$0x1] =	wrdreg $0xFFFFFFFF  }
0x25: {  	[dreg:$0x0] =	wrdreg $0x60  }
0x26: {  	[dreg:$0x2] =	wrdreg s25  }
0x27: {  	[dreg:$0x3] =	wrdreg s2  }
0x28: {  	[dreg:$0x4] =	wrdreg $0x9  }
0x29: {  	_ =	task.clear_ibuf [dreg:s7], $0x5FFFF;
	_ =	strace $0x9000004C  }
0x2a: {  	s29 =	simm.s32 $0x9;
	_ =	strace $0x8000004E  }
0x2b: {  	_ =	swait.ge [sflag:s29], $0x1  }
0x2c: {  	[sflag:s29] =	ssyncadd.s32 $0xFFFFFFFF  }
0x2d: {  	_ =	strace $0x9000004E  }
0x2e: {  	_ =	sfence  }
0x2f: {  	s30 =	sld [smem:$0x0];
	_ =	sdelay $0x2  }
0x30: {  	s31 =	sshll.u32 s1, $0xD;
	s1 =	sshrl.u32 s1, $0x2  }
0x31: {  	s3 =	sand.u32 $0x4000, s31;
	s1 =	sadd.s32 s1, s30  }
0x32: {  	s0 =	sor.u32 s3, s0;
	s1 =	sshll.u32 s1, $0x11  }
0x33: {  	s0 =	sor.u32 s1, s0  }
0x34: {  	s0 =	sadd.s32 $0x8F2B, s0  }
0x35: {  	[sflag:s0] =	ssyncadd.remote.s32 $0x1  }
0x36: {  	_ =	sfence.sel $0xFFFF  }
0x37: {  	[dreg:$0x0] =	wrdreg $0xFFFFFFFF;
	(pc) =	sbr.abs _section_cstart, $3  }
0x38: {  	[dreg:$0x1] =	wrdreg $0xFFFFFFFF  }
0x39: {  	_ =	task.clear_ibuf [dreg:s7], $0x2FFFF;
	_ =	strace $0x9FFFFFFF  }
0x3a: {  	(tm) =	ssettm $0x7FFFFFFF  }
0x3b: {  	_ =	shalt  }
tec
execute0_lowered:
.L_overlay_start_1:
0x0: {  	(tag) =	ssettag $0x1  }
0x1: {  	s0 =	stileid.u32;
	s6 =	rddreg [dreg:$0x0]  }
0x2: {  	s2 =	rddreg [dreg:$0x1];
	s5 =	srdreg.scid  }
0x3: {  	s31 =	simm.s32 $0x2;
	s13 =	simm.s32 $0x0;
	s1 =	sshll.u32 s0, $0x7  }
0x4: {  	s14 =	simm.s32 $0x0;
	s12 =	simm.s32 $0x0;
	s3 =	sand.u32 $0x380, s1  }
0x5: {  	s5 =	sshll.u32 s5, $0x4;
	s6 =	sadd.s32 $0x1200, s6;
	s4 =	ssub.s32 $0x400, s3  }
0x6: {  	s1 =	rddreg [dreg:$0x2];
	_ =	strace $0x8000004D;
	s7 =	sand.u32 $0x380, s4  }
0x7: {  	s5 =	sand.u32 $0x10, s5;
	p0 =	sne.s32 s7, $0x0;
	s7 =	simm.s32 $0x1  }
.Ltmp0:
0x8: {  	s8 =	sshrl.u32 s4, $0xA;
	s7 =	simm.s32 @!p0 $0x0;
	(pc) =	sbr.rel .LBB1_1-.Ltmp0, $4  }
0x9: {  	s9 =	sor.u32 s0, s5;
	s4 =	simm.s32 $0x1;
	s30 =	sadd.s32 s7, s8  }
0xa: {  	s11 =	smov.u32 s3;
	[sflag:s4] =	ssyncpa.u1 $0x0;
	s5 =	smul.u32 $0x32, s30  }
0xb: {  	[sflag:s31] =	ssyncpa.u1 $0x0;
	p0 =	por $0x0, $0x0;
	s7 =	sshrl.u32 s9, $0x3  }
0xc: {  	s9 =	simm.s32 $0x2000;
	s10 =	smov.u32 s7;
	s8 =	sor.u32 $0x1, s5  }
.LBB1_4:
0xd: {  	s17 =	sand.u32 $0x1F80, s14;
	s13 =	sshll.u32 s13, $0xD  }
0xe: {  	[tilespmem:s16+$0x810 ss:$0x81] =	vst.msk $0xffff, v2;
	s18 =	sshrl.u32 s14, $0x3;
	s31 =	sand.u32 $0x7, s14;
	s17 =	sadd.s32 s2, s17  }
0xf: {  	[tilespmem:s16+$0x1020 ss:$0x81] =	vst.msk $0xffff, v0;
	s18 =	sand.u32 $0xF, s18;
	s14 =	sshll.u32 s31, $0x12;
	s13 =	sadd.s32 s13, s17  }
0x10: {  	[tilespmem:s16+$0x0 ss:$0x81] =	vst.msk $0xffff, v1;
	s14 =	sor.u32 $0x400, s14;
	s13 =	sadd.s32 s18, s13  }
0x11: {  	[hbm4b:s13+s14] =	stream.strided.scatter [tilespmem:s15], [sflag:$0x2], $0x2000, s9, s14, $0x20;
	[tilespmem:$0x8080] =	vst v63  }
.LBB1_5:
0x12: {  	s15 =	sadd.s32 $0x4, s10  }
0x13: {  	s13 =	sadd.s32 $0x400, s11;
	s17 =	smov.u32 s11;
	p2 =	sgt.s32 s15, $0xC7  }
0x14: {  	s17 =	smov.u32 @p2 s13  }
0x15: {  	s15 =	smov.u32 @p2 s7;
	p2 =	sgt.s32 s17, $0x3FF  }
0x16: {  	s17 =	smov.u32 @p2 s3;
	p2 =	sne.s32 s12, s8  }
.Ltmp1:
0x17: {  	p1 =	slt.u32 s12, $0x2;
	(pc) =	sbr.rel @!p2 .LBB1_6-.Ltmp1, $4  }
0x18: {  	s16 =	simm.s32 @!p1 $0x2  }
0x19: {  	s14 =	smov.u32 s11;
	p0 =	por !p0, !p0;
	_ =	swait.ge @!p1 [sflag:s16], $0x2000  }
0x1a: {  	s13 =	smov.u32 s10;
	[sflag:s16] =	ssyncset.done @!p1 $0x0;
	s10 =	smov.u32 s15  }
0x1b: {  	s12 =	sadd.s32 $0x1, s12;
	[sflag:s16] =	ssyncadd.s32 @!p1 $0xFFFFE000;
	s11 =	smov.u32 s17  }
.LBB1_1:
0x1c: {  	p1 =	sge.u32 s12, s5  }
0x1d: {  	s15 =	sand.u32 @!p1 $0x1FFFFFF, s10  }
0x1e: {  	s16 =	smulhi.u32 @!p1 $0x147AE15, s15;
	_ =	sdelay $0x1  }
0x1f: {  	s16 =	smul.u32 @!p1 $0xC8, s16  }
0x20: {  	s17 =	sxor.u32 @!p1 $0xFFFFFFFF, s12;
	s18 =	smul.u32 @!p1 $0xC80, s11  }
0x21: {  	s31 =	sadd.s32 $0xFFFFFFFF, s12;
	s17 =	sshll.u32 @!p1 s17, $0xD;
	s15 =	ssub.s32 @!p1 s15, s16  }
0x22: {  	s16 =	sand.u32 @!p1 $0x2000, s17;
	s17 =	sadd.s32 @!p1 s6, s18;
	s15 =	sshll.u32 @!p1 s15, $0x4  }
0x23: {  	s18 =	simm.s32 @!p1 $0x6400;
	s15 =	sadd.s32 @!p1 s15, s17;
	s17 =	simm.s32 @!p1 $0x40  }
0x24: {  	[tilespmem:s16], [sflag:$0x1] =	stream.strided.gather @!p1 [hbm4b:s15+s17], $0x2000, s18, s17, $0x38;
	[tilespmem:$0x8080] =	vst v63  }
0x25: {  	p1 =	sge.u32 s31, s5  }
.Ltmp2:
0x26: {  	_ = 	snop;
	(pc) =	sbr.rel @p1 .LBB1_5-.Ltmp2, $1  }
0x27: {  	_ =	sdelay $0x3  }
0x28: {  	s15 =	simm.s32 $0x1  }
0x29: {  	_ =	swait.ge [sflag:s4], $0x2000;
	s15 =	simm.s32 @!p0 $0x0  }
0x2a: {  	[sflag:s4] =	ssyncset.done $0x0;
	s16 =	sshll.u32 s15, $0xD  }
0x2b: {  	[sflag:s4] =	ssyncadd.s32 $0xFFFFE000;
	s19 =	sor.u32 $0x20, s16  }
0x2c: {  	s15 =	smul.u32 $0x8100, s15;
	v3 =	vld [tilespmem:s19+$0x10]  }
0x2d: {  	s30 =	sand.u32 $0x1, s12;
	v2 =	vld [tilespmem:s19+$0xFFFFFFF0]  }
0x2e: {  	s16 =	smul.u32 $0x8100, s30;
	s15 =	sshrl.u32 s15, $0x2;
	v0 =	vld [tilespmem:s19+$0x0]  }
0x2f: {  	v1 =	vld [tilespmem:s19+$0xFFFFFFE0];
	s17 =	sor.u32 $0x4000, s15  }
0x30: {  	s31 =	sshrl.u32 s16, $0x2;
	s16 =	sadd.s32 $0x0, s17  }
0x31: {  	s18 =	simm.s32 $0x4;
	s19 =	sadd.s32 $0x40, s19;
	s15 =	sor.u32 $0x4000, s31;
	[tilespmem:s16+$0x1830 ss:$0x81] =	vst.msk $0xffff, v3  }
.LBB1_3:
0x32: {  	v3 =	vld [tilespmem:s19+$0x10];
	p1 =	sne.s32 s18, $0x1FC;
	[tilespmem:s16+$0x810 ss:$0x81] =	vst.msk $0xffff, v2;
	s20 =	smov.u32 s18;
	s18 =	sadd.s32 $0x4, s18  }
.Ltmp3:
0x33: {  	v2 =	vld [tilespmem:s19+$0xFFFFFFF0];
	[tilespmem:s16+$0x1020 ss:$0x81] =	vst.msk $0xffff, v0;
	(pc) =	sbr.rel @p1 .LBB1_3-.Ltmp3, $4  }
0x34: {  	v0 =	vld [tilespmem:s19+$0x0];
	[tilespmem:s16+$0x0 ss:$0x81] =	vst.msk $0xffff, v1  }
0x35: {  	s16 =	sshra.s32 s20, $0x2;
	v1 =	vld [tilespmem:s19+$0xFFFFFFE0]  }
0x36: {  	s16 =	sadd.s32 s16, s17  }
0x37: {  	s19 =	sadd.s32 $0x40, s19;
	[tilespmem:s16+$0x1830 ss:$0x81] =	vst.msk $0xffff, v3  }
.Ltmp4:
0x38: {  	_ = 	snop;
	(pc) =	sbr.rel .LBB1_4-.Ltmp4, $1  }
0x39: {  	_ =	sdelay $0x3  }
.LBB1_6:
0x3a: {  	_ =	sfence.sel $0x180000  }
0x3b: {  	s2 =	simm.s32 $0x1;
	[bflag:$0x0] =	sbarrier.arrive $0xFFFF  }
0x3c: {  	s31 =	simm.s32 $0x2;
	[sflag:s2] =	ssyncpa.u1 $0x1  }
0x3d: {  	[sflag:s31] =	ssyncpa.u1 $0x1  }
0x3e: {  	p0 =	sne.s32 s0, $0x0;
	_ =	strace $0x9000004D  }
0x3f: {  	s0 =	sadd.s32 @!p0 $0x100000, s1;
	[bflag:$0x2] =	sbarrier.arrive $0xFFFF  }
0x40: {  	[sflag:s0] =	ssyncadd.tile.s32 @!p0 $0x1;
	_ =	shalt  }
.Lfunc_end1:
_tile_overlayer_lowered:
.L_overlay_start_2:
0x41: {  	(tag) =	ssettag $0x2  }
0x42: {  	s0 =	rddreg [dreg:$0x0];
	s2 =	stileid.u32  }
0x43: {  	s1 =	rddreg [dreg:$0x1];
	p0 =	sne.s32 s2, $0x0  }
0x44: {  	s3 =	rddreg [dreg:$0x2];
	[bflag:$0x3] =	sbarrier.arrive $0xFFFF;
	s2 =	simm.s32 @!p0 $0x1C01  }
0x45: {  	[timem:s3], [sflag:s2] =	dma.local @!p0 [hbm:s0], s1  }
0x46: {  	s0 =	simm.s32 @!p0 $0x1  }
0x47: {  	_ =	swait.ge @!p0 [sflag:s0], s1  }
0x48: {  	s1 =	ssub.s32 @!p0 $0x0, s1;
	[sflag:s0] =	ssyncset.done @!p0 $0x0  }
0x49: {  	[sflag:s0] =	ssyncadd.s32 @!p0 s1  }
0x4a: {  	[bflag:$0x3] =	sbarrier.arrive $0xFFFF  }
0x4b: {  	_ =	shalt  }

</sc_bundles>
